<compile_context>
chip_gen: v7x
topology: tpu7x:2x2x1
jax: 0.10.2.dev20260603
libtpu: 0.0.44.dev20260713+nightly
codegen_flags: <defaults>
</compile_context>

<pallas_src>
import functools

import jax
import jax.numpy as jnp
from jax import lax
from jax.experimental import pallas as pl
from jax.experimental.pallas import tpu as pltpu
from jax.experimental.pallas import tpu_sc as plsc

_NC = 2
_NS = 16
_NW = _NC * _NS


def _pack16(lo, hi):
    ul = jax.lax.bitcast_convert_type(lo, jnp.uint32)
    uh = jax.lax.bitcast_convert_type(hi, jnp.uint32)
    half = jnp.uint32(0x8000)
    w = ((ul + half) >> 16) | ((uh + half) & jnp.uint32(0xFFFF0000))
    return jax.lax.bitcast_convert_type(w, jnp.float32)


def _sc_gather_combine(xt, idx_flat, Es, C, K):
    e_per_w = Es // _NW
    nchunks = e_per_w // K
    assert nchunks % 2 == 1 and K % 8 == 0 and e_per_w % K == 0
    mesh = plsc.VectorSubcoreMesh(core_axis_name="c", subcore_axis_name="s")

    row_t = pltpu.VMEM((K, C), jnp.float32)

    @functools.partial(
        pl.kernel,
        mesh=mesh,
        out_type=jax.ShapeDtypeStruct((2 * Es, C), jnp.float32),
        scratch_types=[
            pltpu.VMEM((e_per_w,), jnp.int32),
            pltpu.VMEM((e_per_w,), jnp.int32),
            pltpu.VMEM((e_per_w,), jnp.int32),
            pltpu.VMEM((e_per_w,), jnp.int32),
            row_t, row_t, row_t, row_t,
            row_t, row_t, row_t, row_t,
            row_t, row_t,
            row_t, row_t,
            pltpu.SemaphoreType.DMA,
            pltpu.SemaphoreType.DMA,
            pltpu.SemaphoreType.DMA,
            pltpu.SemaphoreType.DMA,
        ],
    )
    def gather_kernel(xt_hbm, idx_hbm, out_hbm,
                      i0, i1, i2, i3,
                      a0, a1, a2, a3, b0, b1, b2, b3,
                      oa0, oa1, ob0, ob1,
                      sga, sgb, ssa, ssb):
        wid = lax.axis_index("s") * _NC + lax.axis_index("c")
        w_base = wid * e_per_w
        idxw = (i0, i1, i2, i3)
        rows = ((a0, a1, a2, a3), (b0, b1, b2, b3))
        outs = ((oa0, oa1), (ob0, ob1))
        sg = (sga, sgb)
        ss = (ssa, ssb)

        for j in range(4):
            pltpu.sync_copy(idx_hbm.at[pl.ds(j * Es + w_base, e_per_w)],
                            idxw[j])

        def fire_g(c, p):
            for j in range(4):
                pltpu.async_copy(
                    xt_hbm.at[idxw[j].at[pl.ds(c * K, K)]], rows[p][j],
                    sg[p])

        def fire_s(c, p):
            base = pl.multiple_of(w_base + c * K, 8)
            for h in range(2):
                pltpu.async_copy(outs[p][h],
                                 out_hbm.at[pl.ds(h * Es + base, K)],
                                 ss[p])

        def wait_g(p):
            for j in range(4):
                pltpu.make_async_copy(xt_hbm.at[pl.ds(0, K)], rows[p][j],
                                      sg[p]).wait()

        def wait_s(p):
            for h in range(2):
                pltpu.make_async_copy(xt_hbm.at[pl.ds(0, K)], outs[p][h],
                                      ss[p]).wait()

        def compute(p):
            r1, r2, r3, r4 = rows[p]
            o1, o2 = outs[p]

            def edge_body(e, carry):
                for ra, rb, o in ((r1, r3, o1), (r2, r4, o2)):
                    for k in range(4):
                        alo = ra[e, pl.ds(16 * k, 16)]
                        blo = rb[e, pl.ds(16 * k, 16)]
                        ahi = ra[e, pl.ds(64 + 16 * k, 16)]
                        bhi = rb[e, pl.ds(64 + 16 * k, 16)]
                        o[e, pl.ds(16 * k, 16)] = _pack16(
                            alo + blo, ahi + bhi)
                        o[e, pl.ds(64 + 16 * k, 16)] = _pack16(
                            jnp.abs(alo - blo), jnp.abs(ahi - bhi))
                return carry

            lax.fori_loop(0, K, edge_body, 0)

        fire_g(0, 0)

        def body(u, carry):
            ca = 2 * u
            wait_g(0)

            @pl.when(ca + 1 < nchunks)
            def _():
                fire_g(ca + 1, 1)

            @pl.when(u > 0)
            def _():
                wait_s(0)

            compute(0)
            fire_s(ca, 0)

            @pl.when(ca + 1 < nchunks)
            def _():
                wait_g(1)

                @pl.when(ca + 2 < nchunks)
                def _():
                    fire_g(ca + 2, 0)

                @pl.when(u > 0)
                def _():
                    wait_s(1)

                compute(1)
                fire_s(ca + 1, 1)

            return carry

        lax.fori_loop(0, (nchunks + 1) // 2, body, 0)
        wait_s(0)
        wait_s(1)

    return gather_kernel(xt, idx_flat)


def _unpack_words(w):
    wi = jax.lax.bitcast_convert_type(w, jnp.uint32)
    lo = jax.lax.bitcast_convert_type(wi << 16, jnp.float32)
    hi = jax.lax.bitcast_convert_type(
        wi & jnp.uint32(0xFFFF0000), jnp.float32)
    return lo, hi


def _tc_combine_conv(xt, comb, wcat, bias, Es, C, Eb):
    def body(xt_ref, comb_ref, w_ref, b_ref, out_ref):
        f0 = xt_ref[...]
        c1l, c1h = _unpack_words(comb_ref[0])
        c2l, c2h = _unpack_words(comb_ref[1])
        feat = jnp.concatenate(
            [f0, c1l, c1h, c2l, c2h], axis=-1)
        acc = lax.dot_general(
            w_ref[...], feat, (((0,), (1,)), ((), ())),
            preferred_element_type=jnp.float32)
        out_ref[...] = acc + b_ref[...]

    return pl.pallas_call(
        body,
        grid=(Es // Eb,),
        in_specs=[
            pl.BlockSpec((Eb, C), lambda i: (i, 0)),
            pl.BlockSpec((2, Eb, C), lambda i: (0, i, 0)),
            pl.BlockSpec((5 * C, 32), lambda i: (0, 0)),
            pl.BlockSpec((32, 1), lambda i: (0, 0)),
        ],
        out_specs=pl.BlockSpec((32, Eb), lambda i: (0, i)),
        out_shape=jax.ShapeDtypeStruct((32, Es), jnp.float32),
    )(xt, comb, wcat, bias)


def kernel(x, gemm_edges, W, b):
    Bq, C, E = x.shape
    xt = jnp.transpose(x[0])
    idx_flat = jnp.transpose(gemm_edges[0]).reshape(-1)

    comb = _sc_gather_combine(xt, idx_flat, E, C, K=40)
    comb = comb.reshape(2, E, C)

    w5 = jnp.transpose(W[:, :, 0, :], (2, 1, 0))
    h = C // 2
    wcat = jnp.concatenate(
        [w5[0],
         w5[1][:h], w5[3][:h], w5[1][h:], w5[3][h:],
         w5[2][:h], w5[4][:h], w5[2][h:], w5[4][h:]], axis=0)
    out = _tc_combine_conv(xt, comb, wcat, b.reshape(32, 1), E, C, Eb=1280)
    return out[None, :, :, None]

# --- scband reference (transcript-rebuilt; emitter-appended) ---
"""Pipeline reference for scband-prior-net-48567490183646 (READ-ONLY COPY).

The authoritative reference and input builder live on the scoring server;
editing this copy changes nothing except your own understanding.
"""

import jax, jax.numpy as jnp
import numpy as np

B, C_IN, C_OUT, E = 1, 128, 32, 160000

def setup_inputs(seed: int = 0) -> dict:
    key = jax.random.key(seed)
    k1, k2, k3, k4 = jax.random.split(key, 4)
    x = jax.random.normal(k1, (B, C_IN, E), dtype=jnp.float32)
    gemm_edges = jax.random.randint(k2, (B, E, 4), 0, E, dtype=jnp.int32)
    W = jax.random.normal(k3, (C_OUT, C_IN, 1, 5), dtype=jnp.float32) * 0.05
    b = jax.random.normal(k4, (C_OUT,), dtype=jnp.float32) * 0.01
    return {"x": x, "gemm_edges": gemm_edges, "W": W, "b": b}

def reference(x, gemm_edges, W, b):
    # MeshConv.forward: build GeMM neighborhood tensor then 1x5 conv.
    # x: [B, C_in, E] edge features; gemm_edges: [B, E, 4] neighbor edge ids.
    Bq, Cq, Eq = x.shape
    # column 0 is the edge's own index (torch.cat((arange(ecnt), gemm_edges)))
    self_idx = jnp.broadcast_to(
        jnp.arange(Eq, dtype=gemm_edges.dtype)[None, :, None], (Bq, Eq, 1))
    gemm = jnp.concatenate([self_idx, gemm_edges], axis=2)  # [B, E, 5]
    # prepend a zero pad row along the edge axis, shift indices by +1
    xp = jnp.concatenate([jnp.zeros((Bq, Cq, 1), dtype=x.dtype), x], axis=2)  # [B, C, E+1]
    g = gemm + 1
    # gather (equivalent of flatten_gemm + index_select): f[b, e, j, c] = xp[b, c, g[b, e, j]]
    bidx = jnp.arange(Bq)[:, None, None]
    f = xp[bidx, :, g]                      # [B, E, 5, C]
    f = jnp.transpose(f, (0, 3, 1, 2))       # [B, C, E, 5]
    f0 = f[..., 0]
    f1 = f[..., 1]
    f2 = f[..., 2]
    f3 = f[..., 3]
    f4 = f[..., 4]
    # symmetric neighborhood functions
    feat = jnp.stack([f0, f1 + f3, f2 + f4, jnp.abs(f1 - f3), jnp.abs(f2 - f4)], axis=3)  # [B, C, E, 5]
    # Conv2d(in, out, kernel_size=(1, 5)) over [B, C, E, 5] -> [B, C_out, E, 1]
    out = jnp.einsum('bces,ocs->boe', feat, W[:, :, 0, :]) + b[None, :, None]
    return out[..., None]

if __name__ == "__main__":
    import jax
    _d = setup_inputs()
    print(jax.jit(kernel)(*tuple(_d.values())))

</pallas_src>

<mosaic_0001>
#map = affine_map<(d0, d1) -> (0, 0)>
#map1 = affine_map<(d0, d1) -> (0)>
module attributes {stable_mosaic.version = 14 : i64} {
  func.func @gather_kernel(%arg0: i32, %arg1: i32, %arg2: memref<160000x128xf32, #tpu.memory_space<hbm>>, %arg3: memref<640000xi32, #tpu.memory_space<hbm>>, %arg4: memref<320000x128xf32, #tpu.memory_space<hbm>>, %arg5: memref<5000xi32, #tpu.memory_space<vmem>>, %arg6: memref<5000xi32, #tpu.memory_space<vmem>>, %arg7: memref<5000xi32, #tpu.memory_space<vmem>>, %arg8: memref<5000xi32, #tpu.memory_space<vmem>>, %arg9: memref<40x128xf32, #tpu.memory_space<vmem>>, %arg10: memref<40x128xf32, #tpu.memory_space<vmem>>, %arg11: memref<40x128xf32, #tpu.memory_space<vmem>>, %arg12: memref<40x128xf32, #tpu.memory_space<vmem>>, %arg13: memref<40x128xf32, #tpu.memory_space<vmem>>, %arg14: memref<40x128xf32, #tpu.memory_space<vmem>>, %arg15: memref<40x128xf32, #tpu.memory_space<vmem>>, %arg16: memref<40x128xf32, #tpu.memory_space<vmem>>, %arg17: memref<40x128xf32, #tpu.memory_space<vmem>>, %arg18: memref<40x128xf32, #tpu.memory_space<vmem>>, %arg19: memref<40x128xf32, #tpu.memory_space<vmem>>, %arg20: memref<40x128xf32, #tpu.memory_space<vmem>>, %arg21: memref<!tpu.dma_semaphore, #tpu.memory_space<semaphore_mem>>, %arg22: memref<!tpu.dma_semaphore, #tpu.memory_space<semaphore_mem>>, %arg23: memref<!tpu.dma_semaphore, #tpu.memory_space<semaphore_mem>>, %arg24: memref<!tpu.dma_semaphore, #tpu.memory_space<semaphore_mem>>) attributes {dimension_semantics = [#tpu.dimension_semantics<core_parallel>, #tpu.dimension_semantics<subcore_parallel>], iteration_bounds = array<i64: 2, 16>, scalar_prefetch = 0 : i64, scratch_operands = 20 : i64, tpu.core_type = #tpu.core_type<sc_vector_subcore>, window_params = [{transform_indices = #map}, {transform_indices = #map1}, {transform_indices = #map}]} {
    %mul3A = arith.constant 2 : i32
    %mul3A_0 = arith.muli %arg1, %mul3A : i32
    %add3A = arith.addi %mul3A_0, %arg0 : i32
    %mul3A_1 = arith.constant 5000 : i32
    %mul3A_2 = arith.muli %add3A, %mul3A_1 : i32
    %add3A_3 = arith.constant 0 : i32
    %add3A_4 = arith.addi %add3A_3, %mul3A_2 : i32
    "tpu.region"() ({
      %run_scoped3A = tpu.sem_alloc : memref<!tpu.dma_semaphore, #tpu.memory_space<semaphore_mem>>
      %dma_start3A_58 = tpu.memref_slice %arg3[%add3A_4] : memref<640000xi32, #tpu.memory_space<hbm>> -> memref<5000xi32, #tpu.memory_space<hbm>>
      %dma_start3A_59 = tpu.memref_slice %arg3[%add3A_4] : memref<640000xi32, #tpu.memory_space<hbm>> -> memref<5000xi32, #tpu.memory_space<hbm>>
      tpu.enqueue_dma source(%dma_start3A_59 : memref<5000xi32, #tpu.memory_space<hbm>>) target(%arg5 : memref<5000xi32, #tpu.memory_space<vmem>>) target_semaphore(%run_scoped3A : memref<!tpu.dma_semaphore, #tpu.memory_space<semaphore_mem>>)
      %dma_wait3A_60 = tpu.memref_slice %arg3[%add3A_4] : memref<640000xi32, #tpu.memory_space<hbm>> -> memref<5000xi32, #tpu.memory_space<hbm>>
      %dma_wait3A_61 = tpu.memref_slice %arg3[%add3A_4] : memref<640000xi32, #tpu.memory_space<hbm>> -> memref<5000xi32, #tpu.memory_space<hbm>>
      tpu.wait_dma2 semaphore(%run_scoped3A : memref<!tpu.dma_semaphore, #tpu.memory_space<semaphore_mem>>) src(%dma_wait3A_61 : memref<5000xi32, #tpu.memory_space<hbm>>) dst(%arg5 : memref<5000xi32, #tpu.memory_space<vmem>>)
      tpu.yield
    }) : () -> ()
    %add3A_5 = arith.constant 160000 : i32
    %add3A_6 = arith.addi %add3A_5, %mul3A_2 : i32
    "tpu.region"() ({
      %run_scoped3A = tpu.sem_alloc : memref<!tpu.dma_semaphore, #tpu.memory_space<semaphore_mem>>
      %dma_start3A_58 = tpu.memref_slice %arg3[%add3A_6] : memref<640000xi32, #tpu.memory_space<hbm>> -> memref<5000xi32, #tpu.memory_space<hbm>>
      %dma_start3A_59 = tpu.memref_slice %arg3[%add3A_6] : memref<640000xi32, #tpu.memory_space<hbm>> -> memref<5000xi32, #tpu.memory_space<hbm>>
      tpu.enqueue_dma source(%dma_start3A_59 : memref<5000xi32, #tpu.memory_space<hbm>>) target(%arg6 : memref<5000xi32, #tpu.memory_space<vmem>>) target_semaphore(%run_scoped3A : memref<!tpu.dma_semaphore, #tpu.memory_space<semaphore_mem>>)
      %dma_wait3A_60 = tpu.memref_slice %arg3[%add3A_6] : memref<640000xi32, #tpu.memory_space<hbm>> -> memref<5000xi32, #tpu.memory_space<hbm>>
      %dma_wait3A_61 = tpu.memref_slice %arg3[%add3A_6] : memref<640000xi32, #tpu.memory_space<hbm>> -> memref<5000xi32, #tpu.memory_space<hbm>>
      tpu.wait_dma2 semaphore(%run_scoped3A : memref<!tpu.dma_semaphore, #tpu.memory_space<semaphore_mem>>) src(%dma_wait3A_61 : memref<5000xi32, #tpu.memory_space<hbm>>) dst(%arg6 : memref<5000xi32, #tpu.memory_space<vmem>>)
      tpu.yield
    }) : () -> ()
    %add3A_7 = arith.constant 320000 : i32
    %add3A_8 = arith.addi %add3A_7, %mul3A_2 : i32
    "tpu.region"() ({
      %run_scoped3A = tpu.sem_alloc : memref<!tpu.dma_semaphore, #tpu.memory_space<semaphore_mem>>
      %dma_start3A_58 = tpu.memref_slice %arg3[%add3A_8] : memref<640000xi32, #tpu.memory_space<hbm>> -> memref<5000xi32, #tpu.memory_space<hbm>>
      %dma_start3A_59 = tpu.memref_slice %arg3[%add3A_8] : memref<640000xi32, #tpu.memory_space<hbm>> -> memref<5000xi32, #tpu.memory_space<hbm>>
      tpu.enqueue_dma source(%dma_start3A_59 : memref<5000xi32, #tpu.memory_space<hbm>>) target(%arg7 : memref<5000xi32, #tpu.memory_space<vmem>>) target_semaphore(%run_scoped3A : memref<!tpu.dma_semaphore, #tpu.memory_space<semaphore_mem>>)
      %dma_wait3A_60 = tpu.memref_slice %arg3[%add3A_8] : memref<640000xi32, #tpu.memory_space<hbm>> -> memref<5000xi32, #tpu.memory_space<hbm>>
      %dma_wait3A_61 = tpu.memref_slice %arg3[%add3A_8] : memref<640000xi32, #tpu.memory_space<hbm>> -> memref<5000xi32, #tpu.memory_space<hbm>>
      tpu.wait_dma2 semaphore(%run_scoped3A : memref<!tpu.dma_semaphore, #tpu.memory_space<semaphore_mem>>) src(%dma_wait3A_61 : memref<5000xi32, #tpu.memory_space<hbm>>) dst(%arg7 : memref<5000xi32, #tpu.memory_space<vmem>>)
      tpu.yield
    }) : () -> ()
    %add3A_9 = arith.constant 480000 : i32
    %add3A_10 = arith.addi %add3A_9, %mul3A_2 : i32
    "tpu.region"() ({
      %run_scoped3A = tpu.sem_alloc : memref<!tpu.dma_semaphore, #tpu.memory_space<semaphore_mem>>
      %dma_start3A_58 = tpu.memref_slice %arg3[%add3A_10] : memref<640000xi32, #tpu.memory_space<hbm>> -> memref<5000xi32, #tpu.memory_space<hbm>>
      %dma_start3A_59 = tpu.memref_slice %arg3[%add3A_10] : memref<640000xi32, #tpu.memory_space<hbm>> -> memref<5000xi32, #tpu.memory_space<hbm>>
      tpu.enqueue_dma source(%dma_start3A_59 : memref<5000xi32, #tpu.memory_space<hbm>>) target(%arg8 : memref<5000xi32, #tpu.memory_space<vmem>>) target_semaphore(%run_scoped3A : memref<!tpu.dma_semaphore, #tpu.memory_space<semaphore_mem>>)
      %dma_wait3A_60 = tpu.memref_slice %arg3[%add3A_10] : memref<640000xi32, #tpu.memory_space<hbm>> -> memref<5000xi32, #tpu.memory_space<hbm>>
      %dma_wait3A_61 = tpu.memref_slice %arg3[%add3A_10] : memref<640000xi32, #tpu.memory_space<hbm>> -> memref<5000xi32, #tpu.memory_space<hbm>>
      tpu.wait_dma2 semaphore(%run_scoped3A : memref<!tpu.dma_semaphore, #tpu.memory_space<semaphore_mem>>) src(%dma_wait3A_61 : memref<5000xi32, #tpu.memory_space<hbm>>) dst(%arg8 : memref<5000xi32, #tpu.memory_space<vmem>>)
      tpu.yield
    }) : () -> ()
    %dma_start3A = arith.constant 0 : i32
    %dma_start3A_11 = tpu.memref_slice %arg5[%dma_start3A] : memref<5000xi32, #tpu.memory_space<vmem>> -> memref<40xi32, #tpu.memory_space<vmem>>
    %dma_start3A_12 = arith.constant 0 : i32
    %dma_start3A_13 = arith.constant 0 : i32
    %dma_start3A_14 = tpu.memref_slice %arg2[%dma_start3A_12, %dma_start3A_13] : memref<160000x128xf32, #tpu.memory_space<hbm>> -> memref<160000x128xf32, #tpu.memory_space<hbm>>
    tpu.enqueue_indirect_dma source(%dma_start3A_14 : memref<160000x128xf32, #tpu.memory_space<hbm>>) target(%arg9 : memref<40x128xf32, #tpu.memory_space<vmem>>) offsets(%dma_start3A_11 : memref<40xi32, #tpu.memory_space<vmem>>) semaphore(%arg21 : memref<!tpu.dma_semaphore, #tpu.memory_space<semaphore_mem>>)
    %dma_start3A_15 = arith.constant 0 : i32
    %dma_start3A_16 = tpu.memref_slice %arg6[%dma_start3A_15] : memref<5000xi32, #tpu.memory_space<vmem>> -> memref<40xi32, #tpu.memory_space<vmem>>
    %dma_start3A_17 = arith.constant 0 : i32
    %dma_start3A_18 = arith.constant 0 : i32
    %dma_start3A_19 = tpu.memref_slice %arg2[%dma_start3A_17, %dma_start3A_18] : memref<160000x128xf32, #tpu.memory_space<hbm>> -> memref<160000x128xf32, #tpu.memory_space<hbm>>
    tpu.enqueue_indirect_dma source(%dma_start3A_19 : memref<160000x128xf32, #tpu.memory_space<hbm>>) target(%arg10 : memref<40x128xf32, #tpu.memory_space<vmem>>) offsets(%dma_start3A_16 : memref<40xi32, #tpu.memory_space<vmem>>) semaphore(%arg21 : memref<!tpu.dma_semaphore, #tpu.memory_space<semaphore_mem>>)
    %dma_start3A_20 = arith.constant 0 : i32
    %dma_start3A_21 = tpu.memref_slice %arg7[%dma_start3A_20] : memref<5000xi32, #tpu.memory_space<vmem>> -> memref<40xi32, #tpu.memory_space<vmem>>
    %dma_start3A_22 = arith.constant 0 : i32
    %dma_start3A_23 = arith.constant 0 : i32
    %dma_start3A_24 = tpu.memref_slice %arg2[%dma_start3A_22, %dma_start3A_23] : memref<160000x128xf32, #tpu.memory_space<hbm>> -> memref<160000x128xf32, #tpu.memory_space<hbm>>
    tpu.enqueue_indirect_dma source(%dma_start3A_24 : memref<160000x128xf32, #tpu.memory_space<hbm>>) target(%arg11 : memref<40x128xf32, #tpu.memory_space<vmem>>) offsets(%dma_start3A_21 : memref<40xi32, #tpu.memory_space<vmem>>) semaphore(%arg21 : memref<!tpu.dma_semaphore, #tpu.memory_space<semaphore_mem>>)
    %dma_start3A_25 = arith.constant 0 : i32
    %dma_start3A_26 = tpu.memref_slice %arg8[%dma_start3A_25] : memref<5000xi32, #tpu.memory_space<vmem>> -> memref<40xi32, #tpu.memory_space<vmem>>
    %dma_start3A_27 = arith.constant 0 : i32
    %dma_start3A_28 = arith.constant 0 : i32
    %dma_start3A_29 = tpu.memref_slice %arg2[%dma_start3A_27, %dma_start3A_28] : memref<160000x128xf32, #tpu.memory_space<hbm>> -> memref<160000x128xf32, #tpu.memory_space<hbm>>
    tpu.enqueue_indirect_dma source(%dma_start3A_29 : memref<160000x128xf32, #tpu.memory_space<hbm>>) target(%arg12 : memref<40x128xf32, #tpu.memory_space<vmem>>) offsets(%dma_start3A_26 : memref<40xi32, #tpu.memory_space<vmem>>) semaphore(%arg21 : memref<!tpu.dma_semaphore, #tpu.memory_space<semaphore_mem>>)
    %scan3A = arith.constant 0 : i32
    %scan3A_30 = arith.constant 0 : i32
    %scan3A_31 = arith.constant 63 : i32
    %scan3A_32 = arith.addi %scan3A_30, %scan3A_31 : i32
    %scan3A_33 = arith.constant 1 : i32
    scf.for %scan3A_58 = %scan3A_30 to %scan3A_32 step %scan3A_33  : i32 {
      %mul3A_59 = arith.constant 2 : i32
      %mul3A_60 = arith.muli %mul3A_59, %scan3A_58 : i32
      %dma_wait3A_61 = arith.constant 0 : i32
      %dma_wait3A_62 = arith.constant 0 : i32
      %dma_wait3A_63 = tpu.memref_slice %arg2[%dma_wait3A_61, %dma_wait3A_62] : memref<160000x128xf32, #tpu.memory_space<hbm>> -> memref<40x128xf32, #tpu.memory_space<hbm>>
      %dma_wait3A_64 = arith.constant 0 : i32
      %dma_wait3A_65 = arith.constant 0 : i32
      %dma_wait3A_66 = tpu.memref_slice %arg2[%dma_wait3A_64, %dma_wait3A_65] : memref<160000x128xf32, #tpu.memory_space<hbm>> -> memref<40x128xf32, #tpu.memory_space<hbm>>
      tpu.wait_dma2 semaphore(%arg21 : memref<!tpu.dma_semaphore, #tpu.memory_space<semaphore_mem>>) src(%dma_wait3A_66 : memref<40x128xf32, #tpu.memory_space<hbm>>) dst(%arg9 : memref<40x128xf32, #tpu.memory_space<vmem>>)
      %dma_wait3A_67 = arith.constant 0 : i32
      %dma_wait3A_68 = arith.constant 0 : i32
      %dma_wait3A_69 = tpu.memref_slice %arg2[%dma_wait3A_67, %dma_wait3A_68] : memref<160000x128xf32, #tpu.memory_space<hbm>> -> memref<40x128xf32, #tpu.memory_space<hbm>>
      %dma_wait3A_70 = arith.constant 0 : i32
      %dma_wait3A_71 = arith.constant 0 : i32
      %dma_wait3A_72 = tpu.memref_slice %arg2[%dma_wait3A_70, %dma_wait3A_71] : memref<160000x128xf32, #tpu.memory_space<hbm>> -> memref<40x128xf32, #tpu.memory_space<hbm>>
      tpu.wait_dma2 semaphore(%arg21 : memref<!tpu.dma_semaphore, #tpu.memory_space<semaphore_mem>>) src(%dma_wait3A_72 : memref<40x128xf32, #tpu.memory_space<hbm>>) dst(%arg10 : memref<40x128xf32, #tpu.memory_space<vmem>>)
      %dma_wait3A_73 = arith.constant 0 : i32
      %dma_wait3A_74 = arith.constant 0 : i32
      %dma_wait3A_75 = tpu.memref_slice %arg2[%dma_wait3A_73, %dma_wait3A_74] : memref<160000x128xf32, #tpu.memory_space<hbm>> -> memref<40x128xf32, #tpu.memory_space<hbm>>
      %dma_wait3A_76 = arith.constant 0 : i32
      %dma_wait3A_77 = arith.constant 0 : i32
      %dma_wait3A_78 = tpu.memref_slice %arg2[%dma_wait3A_76, %dma_wait3A_77] : memref<160000x128xf32, #tpu.memory_space<hbm>> -> memref<40x128xf32, #tpu.memory_space<hbm>>
      tpu.wait_dma2 semaphore(%arg21 : memref<!tpu.dma_semaphore, #tpu.memory_space<semaphore_mem>>) src(%dma_wait3A_78 : memref<40x128xf32, #tpu.memory_space<hbm>>) dst(%arg11 : memref<40x128xf32, #tpu.memory_space<vmem>>)
      %dma_wait3A_79 = arith.constant 0 : i32
      %dma_wait3A_80 = arith.constant 0 : i32
      %dma_wait3A_81 = tpu.memref_slice %arg2[%dma_wait3A_79, %dma_wait3A_80] : memref<160000x128xf32, #tpu.memory_space<hbm>> -> memref<40x128xf32, #tpu.memory_space<hbm>>
      %dma_wait3A_82 = arith.constant 0 : i32
      %dma_wait3A_83 = arith.constant 0 : i32
      %dma_wait3A_84 = tpu.memref_slice %arg2[%dma_wait3A_82, %dma_wait3A_83] : memref<160000x128xf32, #tpu.memory_space<hbm>> -> memref<40x128xf32, #tpu.memory_space<hbm>>
      tpu.wait_dma2 semaphore(%arg21 : memref<!tpu.dma_semaphore, #tpu.memory_space<semaphore_mem>>) src(%dma_wait3A_84 : memref<40x128xf32, #tpu.memory_space<hbm>>) dst(%arg12 : memref<40x128xf32, #tpu.memory_space<vmem>>)
      %add3A_85 = arith.constant 1 : i32
      %add3A_86 = arith.addi %mul3A_60, %add3A_85 : i32
      %lt3A = arith.constant 125 : i32
      %lt3A_87 = arith.cmpi slt, %add3A_86, %lt3A : i32
      %convert_element_type3A = arith.extui %lt3A_87 : i1 to i32
      %cond3A = arith.constant 0 : i32
      %cond3A_88 = arith.cmpi ne, %convert_element_type3A, %cond3A : i32
      scf.if %cond3A_88 {
        %add3A_121 = arith.constant 1 : i32
        %add3A_122 = arith.addi %mul3A_60, %add3A_121 : i32
        %mul3A_123 = arith.constant 40 : i32
        %mul3A_124 = arith.muli %add3A_122, %mul3A_123 : i32
        %dma_start3A_125 = tpu.memref_slice %arg5[%mul3A_124] : memref<5000xi32, #tpu.memory_space<vmem>> -> memref<40xi32, #tpu.memory_space<vmem>>
        %dma_start3A_126 = arith.constant 0 : i32
        %dma_start3A_127 = arith.constant 0 : i32
        %dma_start3A_128 = tpu.memref_slice %arg2[%dma_start3A_126, %dma_start3A_127] : memref<160000x128xf32, #tpu.memory_space<hbm>> -> memref<160000x128xf32, #tpu.memory_space<hbm>>
        tpu.enqueue_indirect_dma source(%dma_start3A_128 : memref<160000x128xf32, #tpu.memory_space<hbm>>) target(%arg13 : memref<40x128xf32, #tpu.memory_space<vmem>>) offsets(%dma_start3A_125 : memref<40xi32, #tpu.memory_space<vmem>>) semaphore(%arg22 : memref<!tpu.dma_semaphore, #tpu.memory_space<semaphore_mem>>)
        %mul3A_129 = arith.constant 40 : i32
        %mul3A_130 = arith.muli %add3A_122, %mul3A_129 : i32
        %dma_start3A_131 = tpu.memref_slice %arg6[%mul3A_130] : memref<5000xi32, #tpu.memory_space<vmem>> -> memref<40xi32, #tpu.memory_space<vmem>>
        %dma_start3A_132 = arith.constant 0 : i32
        %dma_start3A_133 = arith.constant 0 : i32
        %dma_start3A_134 = tpu.memref_slice %arg2[%dma_start3A_132, %dma_start3A_133] : memref<160000x128xf32, #tpu.memory_space<hbm>> -> memref<160000x128xf32, #tpu.memory_space<hbm>>
        tpu.enqueue_indirect_dma source(%dma_start3A_134 : memref<160000x128xf32, #tpu.memory_space<hbm>>) target(%arg14 : memref<40x128xf32, #tpu.memory_space<vmem>>) offsets(%dma_start3A_131 : memref<40xi32, #tpu.memory_space<vmem>>) semaphore(%arg22 : memref<!tpu.dma_semaphore, #tpu.memory_space<semaphore_mem>>)
        %mul3A_135 = arith.constant 40 : i32
        %mul3A_136 = arith.muli %add3A_122, %mul3A_135 : i32
        %dma_start3A_137 = tpu.memref_slice %arg7[%mul3A_136] : memref<5000xi32, #tpu.memory_space<vmem>> -> memref<40xi32, #tpu.memory_space<vmem>>
        %dma_start3A_138 = arith.constant 0 : i32
        %dma_start3A_139 = arith.constant 0 : i32
        %dma_start3A_140 = tpu.memref_slice %arg2[%dma_start3A_138, %dma_start3A_139] : memref<160000x128xf32, #tpu.memory_space<hbm>> -> memref<160000x128xf32, #tpu.memory_space<hbm>>
        tpu.enqueue_indirect_dma source(%dma_start3A_140 : memref<160000x128xf32, #tpu.memory_space<hbm>>) target(%arg15 : memref<40x128xf32, #tpu.memory_space<vmem>>) offsets(%dma_start3A_137 : memref<40xi32, #tpu.memory_space<vmem>>) semaphore(%arg22 : memref<!tpu.dma_semaphore, #tpu.memory_space<semaphore_mem>>)
        %mul3A_141 = arith.constant 40 : i32
        %mul3A_142 = arith.muli %add3A_122, %mul3A_141 : i32
        %dma_start3A_143 = tpu.memref_slice %arg8[%mul3A_142] : memref<5000xi32, #tpu.memory_space<vmem>> -> memref<40xi32, #tpu.memory_space<vmem>>
        %dma_start3A_144 = arith.constant 0 : i32
        %dma_start3A_145 = arith.constant 0 : i32
        %dma_start3A_146 = tpu.memref_slice %arg2[%dma_start3A_144, %dma_start3A_145] : memref<160000x128xf32, #tpu.memory_space<hbm>> -> memref<160000x128xf32, #tpu.memory_space<hbm>>
        tpu.enqueue_indirect_dma source(%dma_start3A_146 : memref<160000x128xf32, #tpu.memory_space<hbm>>) target(%arg16 : memref<40x128xf32, #tpu.memory_space<vmem>>) offsets(%dma_start3A_143 : memref<40xi32, #tpu.memory_space<vmem>>) semaphore(%arg22 : memref<!tpu.dma_semaphore, #tpu.memory_space<semaphore_mem>>)
      } else {
      }
      %gt3A = arith.constant 0 : i32
      %gt3A_89 = arith.cmpi sgt, %scan3A_58, %gt3A : i32
      %convert_element_type3A_90 = arith.extui %gt3A_89 : i1 to i32
      %cond3A_91 = arith.constant 0 : i32
      %cond3A_92 = arith.cmpi ne, %convert_element_type3A_90, %cond3A_91 : i32
      scf.if %cond3A_92 {
        %dma_wait3A_121 = arith.constant 0 : i32
        %dma_wait3A_122 = arith.constant 0 : i32
        %dma_wait3A_123 = tpu.memref_slice %arg2[%dma_wait3A_121, %dma_wait3A_122] : memref<160000x128xf32, #tpu.memory_space<hbm>> -> memref<40x128xf32, #tpu.memory_space<hbm>>
        %dma_wait3A_124 = arith.constant 0 : i32
        %dma_wait3A_125 = arith.constant 0 : i32
        %dma_wait3A_126 = tpu.memref_slice %arg2[%dma_wait3A_124, %dma_wait3A_125] : memref<160000x128xf32, #tpu.memory_space<hbm>> -> memref<40x128xf32, #tpu.memory_space<hbm>>
        tpu.wait_dma2 semaphore(%arg23 : memref<!tpu.dma_semaphore, #tpu.memory_space<semaphore_mem>>) src(%dma_wait3A_126 : memref<40x128xf32, #tpu.memory_space<hbm>>) dst(%arg17 : memref<40x128xf32, #tpu.memory_space<vmem>>)
        %dma_wait3A_127 = arith.constant 0 : i32
        %dma_wait3A_128 = arith.constant 0 : i32
        %dma_wait3A_129 = tpu.memref_slice %arg2[%dma_wait3A_127, %dma_wait3A_128] : memref<160000x128xf32, #tpu.memory_space<hbm>> -> memref<40x128xf32, #tpu.memory_space<hbm>>
        %dma_wait3A_130 = arith.constant 0 : i32
        %dma_wait3A_131 = arith.constant 0 : i32
        %dma_wait3A_132 = tpu.memref_slice %arg2[%dma_wait3A_130, %dma_wait3A_131] : memref<160000x128xf32, #tpu.memory_space<hbm>> -> memref<40x128xf32, #tpu.memory_space<hbm>>
        tpu.wait_dma2 semaphore(%arg23 : memref<!tpu.dma_semaphore, #tpu.memory_space<semaphore_mem>>) src(%dma_wait3A_132 : memref<40x128xf32, #tpu.memory_space<hbm>>) dst(%arg18 : memref<40x128xf32, #tpu.memory_space<vmem>>)
      } else {
      }
      %scan3A_93 = arith.constant 0 : i32
      %scan3A_94 = arith.constant 0 : i32
      %scan3A_95 = arith.constant 40 : i32
      %scan3A_96 = arith.addi %scan3A_94, %scan3A_95 : i32
      %scan3A_97 = arith.constant 1 : i32
      scf.for %scan3A_121 = %scan3A_94 to %scan3A_96 step %scan3A_97  : i32 {
        %get3A = arith.index_cast %scan3A_121 : i32 to index
        %get3A_122 = arith.constant 0 : index
        %get3A_123 = tpu.vector_load %arg9[%get3A, %get3A_122] {strides = array<i32>} : memref<40x128xf32, #tpu.memory_space<vmem>>, vector<1x16xf32>,
        %get3A_124 = vector.shape_cast %get3A_123 : vector<1x16xf32> to vector<16xf32>
        %get3A_125 = arith.index_cast %scan3A_121 : i32 to index
        %get3A_126 = arith.constant 0 : index
        %get3A_127 = tpu.vector_load %arg11[%get3A_125, %get3A_126] {strides = array<i32>} : memref<40x128xf32, #tpu.memory_space<vmem>>, vector<1x16xf32>,
        %get3A_128 = vector.shape_cast %get3A_127 : vector<1x16xf32> to vector<16xf32>
        %get3A_129 = arith.index_cast %scan3A_121 : i32 to index
        %get3A_130 = arith.constant 64 : index
        %get3A_131 = tpu.vector_load %arg9[%get3A_129, %get3A_130] {strides = array<i32>} : memref<40x128xf32, #tpu.memory_space<vmem>>, vector<1x16xf32>,
        %get3A_132 = vector.shape_cast %get3A_131 : vector<1x16xf32> to vector<16xf32>
        %get3A_133 = arith.index_cast %scan3A_121 : i32 to index
        %get3A_134 = arith.constant 64 : index
        %get3A_135 = tpu.vector_load %arg11[%get3A_133, %get3A_134] {strides = array<i32>} : memref<40x128xf32, #tpu.memory_space<vmem>>, vector<1x16xf32>,
        %get3A_136 = vector.shape_cast %get3A_135 : vector<1x16xf32> to vector<16xf32>
        %add3A_137 = arith.addf %get3A_124, %get3A_128 : vector<16xf32>
        %add3A_138 = arith.addf %get3A_132, %get3A_136 : vector<16xf32>
        %bitcast_convert_type3A = tpu.bitcast %add3A_137 : vector<16xf32> -> vector<16xi32>
        %bitcast_convert_type3A_139 = tpu.bitcast %add3A_138 : vector<16xf32> -> vector<16xi32>
        %add3A_140 = arith.constant 32768 : i32
        %add3A_141 = vector.broadcast %add3A_140 : i32 to vector<16xi32>
        %add3A_142 = arith.addi %bitcast_convert_type3A, %add3A_141 : vector<16xi32>
        %shift_right_logical3A = arith.constant 16 : i32
        %shift_right_logical3A_143 = vector.broadcast %shift_right_logical3A : i32 to vector<16xi32>
        %shift_right_logical3A_144 = arith.shrui %add3A_142, %shift_right_logical3A_143 : vector<16xi32>
        %add3A_145 = arith.constant 32768 : i32
        %add3A_146 = vector.broadcast %add3A_145 : i32 to vector<16xi32>
        %add3A_147 = arith.addi %bitcast_convert_type3A_139, %add3A_146 : vector<16xi32>
        %and3A = arith.constant -65536 : i32
        %and3A_148 = vector.broadcast %and3A : i32 to vector<16xi32>
        %and3A_149 = arith.andi %add3A_147, %and3A_148 : vector<16xi32>
        %or3A = arith.ori %shift_right_logical3A_144, %and3A_149 : vector<16xi32>
        %bitcast_convert_type3A_150 = tpu.bitcast %or3A : vector<16xi32> -> vector<16xf32>
        %swap3A = arith.index_cast %scan3A_121 : i32 to index
        %swap3A_151 = arith.constant 0 : index
        %swap3A_152 = tpu.vector_load %arg17[%swap3A, %swap3A_151] {strides = array<i32>} : memref<40x128xf32, #tpu.memory_space<vmem>>, vector<1x16xf32>,
        %swap3A_153 = vector.shape_cast %swap3A_152 : vector<1x16xf32> to vector<16xf32>
        %swap3A_154 = vector.shape_cast %bitcast_convert_type3A_150 : vector<16xf32> to vector<1x16xf32>
        tpu.vector_store %arg17[%swap3A, %swap3A_151], %swap3A_154 {strides = array<i32>} : memref<40x128xf32, #tpu.memory_space<vmem>>, vector<1x16xf32>,
        %sub3A = arith.subf %get3A_124, %get3A_128 : vector<16xf32>
        %abs3A = math.absf %sub3A : vector<16xf32>
        %sub3A_155 = arith.subf %get3A_132, %get3A_136 : vector<16xf32>
        %abs3A_156 = math.absf %sub3A_155 : vector<16xf32>
        %bitcast_convert_type3A_157 = tpu.bitcast %abs3A : vector<16xf32> -> vector<16xi32>
        %bitcast_convert_type3A_158 = tpu.bitcast %abs3A_156 : vector<16xf32> -> vector<16xi32>
        %add3A_159 = arith.constant 32768 : i32
        %add3A_160 = vector.broadcast %add3A_159 : i32 to vector<16xi32>
        %add3A_161 = arith.addi %bitcast_convert_type3A_157, %add3A_160 : vector<16xi32>
        %shift_right_logical3A_162 = arith.constant 16 : i32
        %shift_right_logical3A_163 = vector.broadcast %shift_right_logical3A_162 : i32 to vector<16xi32>
        %shift_right_logical3A_164 = arith.shrui %add3A_161, %shift_right_logical3A_163 : vector<16xi32>
        %add3A_165 = arith.constant 32768 : i32
        %add3A_166 = vector.broadcast %add3A_165 : i32 to vector<16xi32>
        %add3A_167 = arith.addi %bitcast_convert_type3A_158, %add3A_166 : vector<16xi32>
        %and3A_168 = arith.constant -65536 : i32
        %and3A_169 = vector.broadcast %and3A_168 : i32 to vector<16xi32>
        %and3A_170 = arith.andi %add3A_167, %and3A_169 : vector<16xi32>
        %or3A_171 = arith.ori %shift_right_logical3A_164, %and3A_170 : vector<16xi32>
        %bitcast_convert_type3A_172 = tpu.bitcast %or3A_171 : vector<16xi32> -> vector<16xf32>
        %swap3A_173 = arith.index_cast %scan3A_121 : i32 to index
        %swap3A_174 = arith.constant 64 : index
        %swap3A_175 = tpu.vector_load %arg17[%swap3A_173, %swap3A_174] {strides = array<i32>} : memref<40x128xf32, #tpu.memory_space<vmem>>, vector<1x16xf32>,
        %swap3A_176 = vector.shape_cast %swap3A_175 : vector<1x16xf32> to vector<16xf32>
        %swap3A_177 = vector.shape_cast %bitcast_convert_type3A_172 : vector<16xf32> to vector<1x16xf32>
        tpu.vector_store %arg17[%swap3A_173, %swap3A_174], %swap3A_177 {strides = array<i32>} : memref<40x128xf32, #tpu.memory_space<vmem>>, vector<1x16xf32>,
        %get3A_178 = arith.index_cast %scan3A_121 : i32 to index
        %get3A_179 = arith.constant 16 : index
        %get3A_180 = tpu.vector_load %arg9[%get3A_178, %get3A_179] {strides = array<i32>} : memref<40x128xf32, #tpu.memory_space<vmem>>, vector<1x16xf32>,
        %get3A_181 = vector.shape_cast %get3A_180 : vector<1x16xf32> to vector<16xf32>
        %get3A_182 = arith.index_cast %scan3A_121 : i32 to index
        %get3A_183 = arith.constant 16 : index
        %get3A_184 = tpu.vector_load %arg11[%get3A_182, %get3A_183] {strides = array<i32>} : memref<40x128xf32, #tpu.memory_space<vmem>>, vector<1x16xf32>,
        %get3A_185 = vector.shape_cast %get3A_184 : vector<1x16xf32> to vector<16xf32>
        %get3A_186 = arith.index_cast %scan3A_121 : i32 to index
        %get3A_187 = arith.constant 80 : index
        %get3A_188 = tpu.vector_load %arg9[%get3A_186, %get3A_187] {strides = array<i32>} : memref<40x128xf32, #tpu.memory_space<vmem>>, vector<1x16xf32>,
        %get3A_189 = vector.shape_cast %get3A_188 : vector<1x16xf32> to vector<16xf32>
        %get3A_190 = arith.index_cast %scan3A_121 : i32 to index
        %get3A_191 = arith.constant 80 : index
        %get3A_192 = tpu.vector_load %arg11[%get3A_190, %get3A_191] {strides = array<i32>} : memref<40x128xf32, #tpu.memory_space<vmem>>, vector<1x16xf32>,
        %get3A_193 = vector.shape_cast %get3A_192 : vector<1x16xf32> to vector<16xf32>
        %add3A_194 = arith.addf %get3A_181, %get3A_185 : vector<16xf32>
        %add3A_195 = arith.addf %get3A_189, %get3A_193 : vector<16xf32>
        %bitcast_convert_type3A_196 = tpu.bitcast %add3A_194 : vector<16xf32> -> vector<16xi32>
        %bitcast_convert_type3A_197 = tpu.bitcast %add3A_195 : vector<16xf32> -> vector<16xi32>
        %add3A_198 = arith.constant 32768 : i32
        %add3A_199 = vector.broadcast %add3A_198 : i32 to vector<16xi32>
        %add3A_200 = arith.addi %bitcast_convert_type3A_196, %add3A_199 : vector<16xi32>
        %shift_right_logical3A_201 = arith.constant 16 : i32
        %shift_right_logical3A_202 = vector.broadcast %shift_right_logical3A_201 : i32 to vector<16xi32>
        %shift_right_logical3A_203 = arith.shrui %add3A_200, %shift_right_logical3A_202 : vector<16xi32>
        %add3A_204 = arith.constant 32768 : i32
        %add3A_205 = vector.broadcast %add3A_204 : i32 to vector<16xi32>
        %add3A_206 = arith.addi %bitcast_convert_type3A_197, %add3A_205 : vector<16xi32>
        %and3A_207 = arith.constant -65536 : i32
        %and3A_208 = vector.broadcast %and3A_207 : i32 to vector<16xi32>
        %and3A_209 = arith.andi %add3A_206, %and3A_208 : vector<16xi32>
        %or3A_210 = arith.ori %shift_right_logical3A_203, %and3A_209 : vector<16xi32>
        %bitcast_convert_type3A_211 = tpu.bitcast %or3A_210 : vector<16xi32> -> vector<16xf32>
        %swap3A_212 = arith.index_cast %scan3A_121 : i32 to index
        %swap3A_213 = arith.constant 16 : index
        %swap3A_214 = tpu.vector_load %arg17[%swap3A_212, %swap3A_213] {strides = array<i32>} : memref<40x128xf32, #tpu.memory_space<vmem>>, vector<1x16xf32>,
        %swap3A_215 = vector.shape_cast %swap3A_214 : vector<1x16xf32> to vector<16xf32>
        %swap3A_216 = vector.shape_cast %bitcast_convert_type3A_211 : vector<16xf32> to vector<1x16xf32>
        tpu.vector_store %arg17[%swap3A_212, %swap3A_213], %swap3A_216 {strides = array<i32>} : memref<40x128xf32, #tpu.memory_space<vmem>>, vector<1x16xf32>,
        %sub3A_217 = arith.subf %get3A_181, %get3A_185 : vector<16xf32>
        %abs3A_218 = math.absf %sub3A_217 : vector<16xf32>
        %sub3A_219 = arith.subf %get3A_189, %get3A_193 : vector<16xf32>
        %abs3A_220 = math.absf %sub3A_219 : vector<16xf32>
        %bitcast_convert_type3A_221 = tpu.bitcast %abs3A_218 : vector<16xf32> -> vector<16xi32>
        %bitcast_convert_type3A_222 = tpu.bitcast %abs3A_220 : vector<16xf32> -> vector<16xi32>
        %add3A_223 = arith.constant 32768 : i32
        %add3A_224 = vector.broadcast %add3A_223 : i32 to vector<16xi32>
        %add3A_225 = arith.addi %bitcast_convert_type3A_221, %add3A_224 : vector<16xi32>
        %shift_right_logical3A_226 = arith.constant 16 : i32
        %shift_right_logical3A_227 = vector.broadcast %shift_right_logical3A_226 : i32 to vector<16xi32>
        %shift_right_logical3A_228 = arith.shrui %add3A_225, %shift_right_logical3A_227 : vector<16xi32>
        %add3A_229 = arith.constant 32768 : i32
        %add3A_230 = vector.broadcast %add3A_229 : i32 to vector<16xi32>
        %add3A_231 = arith.addi %bitcast_convert_type3A_222, %add3A_230 : vector<16xi32>
        %and3A_232 = arith.constant -65536 : i32
        %and3A_233 = vector.broadcast %and3A_232 : i32 to vector<16xi32>
        %and3A_234 = arith.andi %add3A_231, %and3A_233 : vector<16xi32>
        %or3A_235 = arith.ori %shift_right_logical3A_228, %and3A_234 : vector<16xi32>
        %bitcast_convert_type3A_236 = tpu.bitcast %or3A_235 : vector<16xi32> -> vector<16xf32>
        %swap3A_237 = arith.index_cast %scan3A_121 : i32 to index
        %swap3A_238 = arith.constant 80 : index
        %swap3A_239 = tpu.vector_load %arg17[%swap3A_237, %swap3A_238] {strides = array<i32>} : memref<40x128xf32, #tpu.memory_space<vmem>>, vector<1x16xf32>,
        %swap3A_240 = vector.shape_cast %swap3A_239 : vector<1x16xf32> to vector<16xf32>
        %swap3A_241 = vector.shape_cast %bitcast_convert_type3A_236 : vector<16xf32> to vector<1x16xf32>
        tpu.vector_store %arg17[%swap3A_237, %swap3A_238], %swap3A_241 {strides = array<i32>} : memref<40x128xf32, #tpu.memory_space<vmem>>, vector<1x16xf32>,
        %get3A_242 = arith.index_cast %scan3A_121 : i32 to index
        %get3A_243 = arith.constant 32 : index
        %get3A_244 = tpu.vector_load %arg9[%get3A_242, %get3A_243] {strides = array<i32>} : memref<40x128xf32, #tpu.memory_space<vmem>>, vector<1x16xf32>,
        %get3A_245 = vector.shape_cast %get3A_244 : vector<1x16xf32> to vector<16xf32>
        %get3A_246 = arith.index_cast %scan3A_121 : i32 to index
        %get3A_247 = arith.constant 32 : index
        %get3A_248 = tpu.vector_load %arg11[%get3A_246, %get3A_247] {strides = array<i32>} : memref<40x128xf32, #tpu.memory_space<vmem>>, vector<1x16xf32>,
        %get3A_249 = vector.shape_cast %get3A_248 : vector<1x16xf32> to vector<16xf32>
        %get3A_250 = arith.index_cast %scan3A_121 : i32 to index
        %get3A_251 = arith.constant 96 : index
        %get3A_252 = tpu.vector_load %arg9[%get3A_250, %get3A_251] {strides = array<i32>} : memref<40x128xf32, #tpu.memory_space<vmem>>, vector<1x16xf32>,
        %get3A_253 = vector.shape_cast %get3A_252 : vector<1x16xf32> to vector<16xf32>
        %get3A_254 = arith.index_cast %scan3A_121 : i32 to index
        %get3A_255 = arith.constant 96 : index
        %get3A_256 = tpu.vector_load %arg11[%get3A_254, %get3A_255] {strides = array<i32>} : memref<40x128xf32, #tpu.memory_space<vmem>>, vector<1x16xf32>,
        %get3A_257 = vector.shape_cast %get3A_256 : vector<1x16xf32> to vector<16xf32>
        %add3A_258 = arith.addf %get3A_245, %get3A_249 : vector<16xf32>
        %add3A_259 = arith.addf %get3A_253, %get3A_257 : vector<16xf32>
        %bitcast_convert_type3A_260 = tpu.bitcast %add3A_258 : vector<16xf32> -> vector<16xi32>
        %bitcast_convert_type3A_261 = tpu.bitcast %add3A_259 : vector<16xf32> -> vector<16xi32>
        %add3A_262 = arith.constant 32768 : i32
        %add3A_263 = vector.broadcast %add3A_262 : i32 to vector<16xi32>
        %add3A_264 = arith.addi %bitcast_convert_type3A_260, %add3A_263 : vector<16xi32>
        %shift_right_logical3A_265 = arith.constant 16 : i32
        %shift_right_logical3A_266 = vector.broadcast %shift_right_logical3A_265 : i32 to vector<16xi32>
        %shift_right_logical3A_267 = arith.shrui %add3A_264, %shift_right_logical3A_266 : vector<16xi32>
        %add3A_268 = arith.constant 32768 : i32
        %add3A_269 = vector.broadcast %add3A_268 : i32 to vector<16xi32>
        %add3A_270 = arith.addi %bitcast_convert_type3A_261, %add3A_269 : vector<16xi32>
        %and3A_271 = arith.constant -65536 : i32
        %and3A_272 = vector.broadcast %and3A_271 : i32 to vector<16xi32>
        %and3A_273 = arith.andi %add3A_270, %and3A_272 : vector<16xi32>
        %or3A_274 = arith.ori %shift_right_logical3A_267, %and3A_273 : vector<16xi32>
        %bitcast_convert_type3A_275 = tpu.bitcast %or3A_274 : vector<16xi32> -> vector<16xf32>
        %swap3A_276 = arith.index_cast %scan3A_121 : i32 to index
        %swap3A_277 = arith.constant 32 : index
        %swap3A_278 = tpu.vector_load %arg17[%swap3A_276, %swap3A_277] {strides = array<i32>} : memref<40x128xf32, #tpu.memory_space<vmem>>, vector<1x16xf32>,
        %swap3A_279 = vector.shape_cast %swap3A_278 : vector<1x16xf32> to vector<16xf32>
        %swap3A_280 = vector.shape_cast %bitcast_convert_type3A_275 : vector<16xf32> to vector<1x16xf32>
        tpu.vector_store %arg17[%swap3A_276, %swap3A_277], %swap3A_280 {strides = array<i32>} : memref<40x128xf32, #tpu.memory_space<vmem>>, vector<1x16xf32>,
        %sub3A_281 = arith.subf %get3A_245, %get3A_249 : vector<16xf32>
        %abs3A_282 = math.absf %sub3A_281 : vector<16xf32>
        %sub3A_283 = arith.subf %get3A_253, %get3A_257 : vector<16xf32>
        %abs3A_284 = math.absf %sub3A_283 : vector<16xf32>
        %bitcast_convert_type3A_285 = tpu.bitcast %abs3A_282 : vector<16xf32> -> vector<16xi32>
        %bitcast_convert_type3A_286 = tpu.bitcast %abs3A_284 : vector<16xf32> -> vector<16xi32>
        %add3A_287 = arith.constant 32768 : i32
        %add3A_288 = vector.broadcast %add3A_287 : i32 to vector<16xi32>
        %add3A_289 = arith.addi %bitcast_convert_type3A_285, %add3A_288 : vector<16xi32>
        %shift_right_logical3A_290 = arith.constant 16 : i32
        %shift_right_logical3A_291 = vector.broadcast %shift_right_logical3A_290 : i32 to vector<16xi32>
        %shift_right_logical3A_292 = arith.shrui %add3A_289, %shift_right_logical3A_291 : vector<16xi32>
        %add3A_293 = arith.constant 32768 : i32
        %add3A_294 = vector.broadcast %add3A_293 : i32 to vector<16xi32>
        %add3A_295 = arith.addi %bitcast_convert_type3A_286, %add3A_294 : vector<16xi32>
        %and3A_296 = arith.constant -65536 : i32
        %and3A_297 = vector.broadcast %and3A_296 : i32 to vector<16xi32>
        %and3A_298 = arith.andi %add3A_295, %and3A_297 : vector<16xi32>
        %or3A_299 = arith.ori %shift_right_logical3A_292, %and3A_298 : vector<16xi32>
        %bitcast_convert_type3A_300 = tpu.bitcast %or3A_299 : vector<16xi32> -> vector<16xf32>
        %swap3A_301 = arith.index_cast %scan3A_121 : i32 to index
        %swap3A_302 = arith.constant 96 : index
        %swap3A_303 = tpu.vector_load %arg17[%swap3A_301, %swap3A_302] {strides = array<i32>} : memref<40x128xf32, #tpu.memory_space<vmem>>, vector<1x16xf32>,
        %swap3A_304 = vector.shape_cast %swap3A_303 : vector<1x16xf32> to vector<16xf32>
        %swap3A_305 = vector.shape_cast %bitcast_convert_type3A_300 : vector<16xf32> to vector<1x16xf32>
        tpu.vector_store %arg17[%swap3A_301, %swap3A_302], %swap3A_305 {strides = array<i32>} : memref<40x128xf32, #tpu.memory_space<vmem>>, vector<1x16xf32>,
        %get3A_306 = arith.index_cast %scan3A_121 : i32 to index
        %get3A_307 = arith.constant 48 : index
        %get3A_308 = tpu.vector_load %arg9[%get3A_306, %get3A_307] {strides = array<i32>} : memref<40x128xf32, #tpu.memory_space<vmem>>, vector<1x16xf32>,
        %get3A_309 = vector.shape_cast %get3A_308 : vector<1x16xf32> to vector<16xf32>
        %get3A_310 = arith.index_cast %scan3A_121 : i32 to index
        %get3A_311 = arith.constant 48 : index
        %get3A_312 = tpu.vector_load %arg11[%get3A_310, %get3A_311] {strides = array<i32>} : memref<40x128xf32, #tpu.memory_space<vmem>>, vector<1x16xf32>,
        %get3A_313 = vector.shape_cast %get3A_312 : vector<1x16xf32> to vector<16xf32>
        %get3A_314 = arith.index_cast %scan3A_121 : i32 to index
        %get3A_315 = arith.constant 112 : index
        %get3A_316 = tpu.vector_load %arg9[%get3A_314, %get3A_315] {strides = array<i32>} : memref<40x128xf32, #tpu.memory_space<vmem>>, vector<1x16xf32>,
        %get3A_317 = vector.shape_cast %get3A_316 : vector<1x16xf32> to vector<16xf32>
        %get3A_318 = arith.index_cast %scan3A_121 : i32 to index
        %get3A_319 = arith.constant 112 : index
        %get3A_320 = tpu.vector_load %arg11[%get3A_318, %get3A_319] {strides = array<i32>} : memref<40x128xf32, #tpu.memory_space<vmem>>, vector<1x16xf32>,
        %get3A_321 = vector.shape_cast %get3A_320 : vector<1x16xf32> to vector<16xf32>
        %add3A_322 = arith.addf %get3A_309, %get3A_313 : vector<16xf32>
        %add3A_323 = arith.addf %get3A_317, %get3A_321 : vector<16xf32>
        %bitcast_convert_type3A_324 = tpu.bitcast %add3A_322 : vector<16xf32> -> vector<16xi32>
        %bitcast_convert_type3A_325 = tpu.bitcast %add3A_323 : vector<16xf32> -> vector<16xi32>
        %add3A_326 = arith.constant 32768 : i32
        %add3A_327 = vector.broadcast %add3A_326 : i32 to vector<16xi32>
        %add3A_328 = arith.addi %bitcast_convert_type3A_324, %add3A_327 : vector<16xi32>
        %shift_right_logical3A_329 = arith.constant 16 : i32
        %shift_right_logical3A_330 = vector.broadcast %shift_right_logical3A_329 : i32 to vector<16xi32>
        %shift_right_logical3A_331 = arith.shrui %add3A_328, %shift_right_logical3A_330 : vector<16xi32>
        %add3A_332 = arith.constant 32768 : i32
        %add3A_333 = vector.broadcast %add3A_332 : i32 to vector<16xi32>
        %add3A_334 = arith.addi %bitcast_convert_type3A_325, %add3A_333 : vector<16xi32>
        %and3A_335 = arith.constant -65536 : i32
        %and3A_336 = vector.broadcast %and3A_335 : i32 to vector<16xi32>
        %and3A_337 = arith.andi %add3A_334, %and3A_336 : vector<16xi32>
        %or3A_338 = arith.ori %shift_right_logical3A_331, %and3A_337 : vector<16xi32>
        %bitcast_convert_type3A_339 = tpu.bitcast %or3A_338 : vector<16xi32> -> vector<16xf32>
        %swap3A_340 = arith.index_cast %scan3A_121 : i32 to index
        %swap3A_341 = arith.constant 48 : index
        %swap3A_342 = tpu.vector_load %arg17[%swap3A_340, %swap3A_341] {strides = array<i32>} : memref<40x128xf32, #tpu.memory_space<vmem>>, vector<1x16xf32>,
        %swap3A_343 = vector.shape_cast %swap3A_342 : vector<1x16xf32> to vector<16xf32>
        %swap3A_344 = vector.shape_cast %bitcast_convert_type3A_339 : vector<16xf32> to vector<1x16xf32>
        tpu.vector_store %arg17[%swap3A_340, %swap3A_341], %swap3A_344 {strides = array<i32>} : memref<40x128xf32, #tpu.memory_space<vmem>>, vector<1x16xf32>,
        %sub3A_345 = arith.subf %get3A_309, %get3A_313 : vector<16xf32>
        %abs3A_346 = math.absf %sub3A_345 : vector<16xf32>
        %sub3A_347 = arith.subf %get3A_317, %get3A_321 : vector<16xf32>
        %abs3A_348 = math.absf %sub3A_347 : vector<16xf32>
        %bitcast_convert_type3A_349 = tpu.bitcast %abs3A_346 : vector<16xf32> -> vector<16xi32>
        %bitcast_convert_type3A_350 = tpu.bitcast %abs3A_348 : vector<16xf32> -> vector<16xi32>
        %add3A_351 = arith.constant 32768 : i32
        %add3A_352 = vector.broadcast %add3A_351 : i32 to vector<16xi32>
        %add3A_353 = arith.addi %bitcast_convert_type3A_349, %add3A_352 : vector<16xi32>
        %shift_right_logical3A_354 = arith.constant 16 : i32
        %shift_right_logical3A_355 = vector.broadcast %shift_right_logical3A_354 : i32 to vector<16xi32>
        %shift_right_logical3A_356 = arith.shrui %add3A_353, %shift_right_logical3A_355 : vector<16xi32>
        %add3A_357 = arith.constant 32768 : i32
        %add3A_358 = vector.broadcast %add3A_357 : i32 to vector<16xi32>
        %add3A_359 = arith.addi %bitcast_convert_type3A_350, %add3A_358 : vector<16xi32>
        %and3A_360 = arith.constant -65536 : i32
        %and3A_361 = vector.broadcast %and3A_360 : i32 to vector<16xi32>
        %and3A_362 = arith.andi %add3A_359, %and3A_361 : vector<16xi32>
        %or3A_363 = arith.ori %shift_right_logical3A_356, %and3A_362 : vector<16xi32>
        %bitcast_convert_type3A_364 = tpu.bitcast %or3A_363 : vector<16xi32> -> vector<16xf32>
        %swap3A_365 = arith.index_cast %scan3A_121 : i32 to index
        %swap3A_366 = arith.constant 112 : index
        %swap3A_367 = tpu.vector_load %arg17[%swap3A_365, %swap3A_366] {strides = array<i32>} : memref<40x128xf32, #tpu.memory_space<vmem>>, vector<1x16xf32>,
        %swap3A_368 = vector.shape_cast %swap3A_367 : vector<1x16xf32> to vector<16xf32>
        %swap3A_369 = vector.shape_cast %bitcast_convert_type3A_364 : vector<16xf32> to vector<1x16xf32>
        tpu.vector_store %arg17[%swap3A_365, %swap3A_366], %swap3A_369 {strides = array<i32>} : memref<40x128xf32, #tpu.memory_space<vmem>>, vector<1x16xf32>,
        %get3A_370 = arith.index_cast %scan3A_121 : i32 to index
        %get3A_371 = arith.constant 0 : index
        %get3A_372 = tpu.vector_load %arg10[%get3A_370, %get3A_371] {strides = array<i32>} : memref<40x128xf32, #tpu.memory_space<vmem>>, vector<1x16xf32>,
        %get3A_373 = vector.shape_cast %get3A_372 : vector<1x16xf32> to vector<16xf32>
        %get3A_374 = arith.index_cast %scan3A_121 : i32 to index
        %get3A_375 = arith.constant 0 : index
        %get3A_376 = tpu.vector_load %arg12[%get3A_374, %get3A_375] {strides = array<i32>} : memref<40x128xf32, #tpu.memory_space<vmem>>, vector<1x16xf32>,
        %get3A_377 = vector.shape_cast %get3A_376 : vector<1x16xf32> to vector<16xf32>
        %get3A_378 = arith.index_cast %scan3A_121 : i32 to index
        %get3A_379 = arith.constant 64 : index
        %get3A_380 = tpu.vector_load %arg10[%get3A_378, %get3A_379] {strides = array<i32>} : memref<40x128xf32, #tpu.memory_space<vmem>>, vector<1x16xf32>,
        %get3A_381 = vector.shape_cast %get3A_380 : vector<1x16xf32> to vector<16xf32>
        %get3A_382 = arith.index_cast %scan3A_121 : i32 to index
        %get3A_383 = arith.constant 64 : index
        %get3A_384 = tpu.vector_load %arg12[%get3A_382, %get3A_383] {strides = array<i32>} : memref<40x128xf32, #tpu.memory_space<vmem>>, vector<1x16xf32>,
        %get3A_385 = vector.shape_cast %get3A_384 : vector<1x16xf32> to vector<16xf32>
        %add3A_386 = arith.addf %get3A_373, %get3A_377 : vector<16xf32>
        %add3A_387 = arith.addf %get3A_381, %get3A_385 : vector<16xf32>
        %bitcast_convert_type3A_388 = tpu.bitcast %add3A_386 : vector<16xf32> -> vector<16xi32>
        %bitcast_convert_type3A_389 = tpu.bitcast %add3A_387 : vector<16xf32> -> vector<16xi32>
        %add3A_390 = arith.constant 32768 : i32
        %add3A_391 = vector.broadcast %add3A_390 : i32 to vector<16xi32>
        %add3A_392 = arith.addi %bitcast_convert_type3A_388, %add3A_391 : vector<16xi32>
        %shift_right_logical3A_393 = arith.constant 16 : i32
        %shift_right_logical3A_394 = vector.broadcast %shift_right_logical3A_393 : i32 to vector<16xi32>
        %shift_right_logical3A_395 = arith.shrui %add3A_392, %shift_right_logical3A_394 : vector<16xi32>
        %add3A_396 = arith.constant 32768 : i32
        %add3A_397 = vector.broadcast %add3A_396 : i32 to vector<16xi32>
        %add3A_398 = arith.addi %bitcast_convert_type3A_389, %add3A_397 : vector<16xi32>
        %and3A_399 = arith.constant -65536 : i32
        %and3A_400 = vector.broadcast %and3A_399 : i32 to vector<16xi32>
        %and3A_401 = arith.andi %add3A_398, %and3A_400 : vector<16xi32>
        %or3A_402 = arith.ori %shift_right_logical3A_395, %and3A_401 : vector<16xi32>
        %bitcast_convert_type3A_403 = tpu.bitcast %or3A_402 : vector<16xi32> -> vector<16xf32>
        %swap3A_404 = arith.index_cast %scan3A_121 : i32 to index
        %swap3A_405 = arith.constant 0 : index
        %swap3A_406 = tpu.vector_load %arg18[%swap3A_404, %swap3A_405] {strides = array<i32>} : memref<40x128xf32, #tpu.memory_space<vmem>>, vector<1x16xf32>,
        %swap3A_407 = vector.shape_cast %swap3A_406 : vector<1x16xf32> to vector<16xf32>
        %swap3A_408 = vector.shape_cast %bitcast_convert_type3A_403 : vector<16xf32> to vector<1x16xf32>
        tpu.vector_store %arg18[%swap3A_404, %swap3A_405], %swap3A_408 {strides = array<i32>} : memref<40x128xf32, #tpu.memory_space<vmem>>, vector<1x16xf32>,
        %sub3A_409 = arith.subf %get3A_373, %get3A_377 : vector<16xf32>
        %abs3A_410 = math.absf %sub3A_409 : vector<16xf32>
        %sub3A_411 = arith.subf %get3A_381, %get3A_385 : vector<16xf32>
        %abs3A_412 = math.absf %sub3A_411 : vector<16xf32>
        %bitcast_convert_type3A_413 = tpu.bitcast %abs3A_410 : vector<16xf32> -> vector<16xi32>
        %bitcast_convert_type3A_414 = tpu.bitcast %abs3A_412 : vector<16xf32> -> vector<16xi32>
        %add3A_415 = arith.constant 32768 : i32
        %add3A_416 = vector.broadcast %add3A_415 : i32 to vector<16xi32>
        %add3A_417 = arith.addi %bitcast_convert_type3A_413, %add3A_416 : vector<16xi32>
        %shift_right_logical3A_418 = arith.constant 16 : i32
        %shift_right_logical3A_419 = vector.broadcast %shift_right_logical3A_418 : i32 to vector<16xi32>
        %shift_right_logical3A_420 = arith.shrui %add3A_417, %shift_right_logical3A_419 : vector<16xi32>
        %add3A_421 = arith.constant 32768 : i32
        %add3A_422 = vector.broadcast %add3A_421 : i32 to vector<16xi32>
        %add3A_423 = arith.addi %bitcast_convert_type3A_414, %add3A_422 : vector<16xi32>
        %and3A_424 = arith.constant -65536 : i32
        %and3A_425 = vector.broadcast %and3A_424 : i32 to vector<16xi32>
        %and3A_426 = arith.andi %add3A_423, %and3A_425 : vector<16xi32>
        %or3A_427 = arith.ori %shift_right_logical3A_420, %and3A_426 : vector<16xi32>
        %bitcast_convert_type3A_428 = tpu.bitcast %or3A_427 : vector<16xi32> -> vector<16xf32>
        %swap3A_429 = arith.index_cast %scan3A_121 : i32 to index
        %swap3A_430 = arith.constant 64 : index
        %swap3A_431 = tpu.vector_load %arg18[%swap3A_429, %swap3A_430] {strides = array<i32>} : memref<40x128xf32, #tpu.memory_space<vmem>>, vector<1x16xf32>,
        %swap3A_432 = vector.shape_cast %swap3A_431 : vector<1x16xf32> to vector<16xf32>
        %swap3A_433 = vector.shape_cast %bitcast_convert_type3A_428 : vector<16xf32> to vector<1x16xf32>
        tpu.vector_store %arg18[%swap3A_429, %swap3A_430], %swap3A_433 {strides = array<i32>} : memref<40x128xf32, #tpu.memory_space<vmem>>, vector<1x16xf32>,
        %get3A_434 = arith.index_cast %scan3A_121 : i32 to index
        %get3A_435 = arith.constant 16 : index
        %get3A_436 = tpu.vector_load %arg10[%get3A_434, %get3A_435] {strides = array<i32>} : memref<40x128xf32, #tpu.memory_space<vmem>>, vector<1x16xf32>,
        %get3A_437 = vector.shape_cast %get3A_436 : vector<1x16xf32> to vector<16xf32>
        %get3A_438 = arith.index_cast %scan3A_121 : i32 to index
        %get3A_439 = arith.constant 16 : index
        %get3A_440 = tpu.vector_load %arg12[%get3A_438, %get3A_439] {strides = array<i32>} : memref<40x128xf32, #tpu.memory_space<vmem>>, vector<1x16xf32>,
        %get3A_441 = vector.shape_cast %get3A_440 : vector<1x16xf32> to vector<16xf32>
        %get3A_442 = arith.index_cast %scan3A_121 : i32 to index
        %get3A_443 = arith.constant 80 : index
        %get3A_444 = tpu.vector_load %arg10[%get3A_442, %get3A_443] {strides = array<i32>} : memref<40x128xf32, #tpu.memory_space<vmem>>, vector<1x16xf32>,
        %get3A_445 = vector.shape_cast %get3A_444 : vector<1x16xf32> to vector<16xf32>
        %get3A_446 = arith.index_cast %scan3A_121 : i32 to index
        %get3A_447 = arith.constant 80 : index
        %get3A_448 = tpu.vector_load %arg12[%get3A_446, %get3A_447] {strides = array<i32>} : memref<40x128xf32, #tpu.memory_space<vmem>>, vector<1x16xf32>,
        %get3A_449 = vector.shape_cast %get3A_448 : vector<1x16xf32> to vector<16xf32>
        %add3A_450 = arith.addf %get3A_437, %get3A_441 : vector<16xf32>
        %add3A_451 = arith.addf %get3A_445, %get3A_449 : vector<16xf32>
        %bitcast_convert_type3A_452 = tpu.bitcast %add3A_450 : vector<16xf32> -> vector<16xi32>
        %bitcast_convert_type3A_453 = tpu.bitcast %add3A_451 : vector<16xf32> -> vector<16xi32>
        %add3A_454 = arith.constant 32768 : i32
        %add3A_455 = vector.broadcast %add3A_454 : i32 to vector<16xi32>
        %add3A_456 = arith.addi %bitcast_convert_type3A_452, %add3A_455 : vector<16xi32>
        %shift_right_logical3A_457 = arith.constant 16 : i32
        %shift_right_logical3A_458 = vector.broadcast %shift_right_logical3A_457 : i32 to vector<16xi32>
        %shift_right_logical3A_459 = arith.shrui %add3A_456, %shift_right_logical3A_458 : vector<16xi32>
        %add3A_460 = arith.constant 32768 : i32
        %add3A_461 = vector.broadcast %add3A_460 : i32 to vector<16xi32>
        %add3A_462 = arith.addi %bitcast_convert_type3A_453, %add3A_461 : vector<16xi32>
        %and3A_463 = arith.constant -65536 : i32
        %and3A_464 = vector.broadcast %and3A_463 : i32 to vector<16xi32>
        %and3A_465 = arith.andi %add3A_462, %and3A_464 : vector<16xi32>
        %or3A_466 = arith.ori %shift_right_logical3A_459, %and3A_465 : vector<16xi32>
        %bitcast_convert_type3A_467 = tpu.bitcast %or3A_466 : vector<16xi32> -> vector<16xf32>
        %swap3A_468 = arith.index_cast %scan3A_121 : i32 to index
        %swap3A_469 = arith.constant 16 : index
        %swap3A_470 = tpu.vector_load %arg18[%swap3A_468, %swap3A_469] {strides = array<i32>} : memref<40x128xf32, #tpu.memory_space<vmem>>, vector<1x16xf32>,
        %swap3A_471 = vector.shape_cast %swap3A_470 : vector<1x16xf32> to vector<16xf32>
        %swap3A_472 = vector.shape_cast %bitcast_convert_type3A_467 : vector<16xf32> to vector<1x16xf32>
        tpu.vector_store %arg18[%swap3A_468, %swap3A_469], %swap3A_472 {strides = array<i32>} : memref<40x128xf32, #tpu.memory_space<vmem>>, vector<1x16xf32>,
        %sub3A_473 = arith.subf %get3A_437, %get3A_441 : vector<16xf32>
        %abs3A_474 = math.absf %sub3A_473 : vector<16xf32>
        %sub3A_475 = arith.subf %get3A_445, %get3A_449 : vector<16xf32>
        %abs3A_476 = math.absf %sub3A_475 : vector<16xf32>
        %bitcast_convert_type3A_477 = tpu.bitcast %abs3A_474 : vector<16xf32> -> vector<16xi32>
        %bitcast_convert_type3A_478 = tpu.bitcast %abs3A_476 : vector<16xf32> -> vector<16xi32>
        %add3A_479 = arith.constant 32768 : i32
        %add3A_480 = vector.broadcast %add3A_479 : i32 to vector<16xi32>
        %add3A_481 = arith.addi %bitcast_convert_type3A_477, %add3A_480 : vector<16xi32>
        %shift_right_logical3A_482 = arith.constant 16 : i32
        %shift_right_logical3A_483 = vector.broadcast %shift_right_logical3A_482 : i32 to vector<16xi32>
        %shift_right_logical3A_484 = arith.shrui %add3A_481, %shift_right_logical3A_483 : vector<16xi32>
        %add3A_485 = arith.constant 32768 : i32
        %add3A_486 = vector.broadcast %add3A_485 : i32 to vector<16xi32>
        %add3A_487 = arith.addi %bitcast_convert_type3A_478, %add3A_486 : vector<16xi32>
        %and3A_488 = arith.constant -65536 : i32
        %and3A_489 = vector.broadcast %and3A_488 : i32 to vector<16xi32>
        %and3A_490 = arith.andi %add3A_487, %and3A_489 : vector<16xi32>
        %or3A_491 = arith.ori %shift_right_logical3A_484, %and3A_490 : vector<16xi32>
        %bitcast_convert_type3A_492 = tpu.bitcast %or3A_491 : vector<16xi32> -> vector<16xf32>
        %swap3A_493 = arith.index_cast %scan3A_121 : i32 to index
        %swap3A_494 = arith.constant 80 : index
        %swap3A_495 = tpu.vector_load %arg18[%swap3A_493, %swap3A_494] {strides = array<i32>} : memref<40x128xf32, #tpu.memory_space<vmem>>, vector<1x16xf32>,
        %swap3A_496 = vector.shape_cast %swap3A_495 : vector<1x16xf32> to vector<16xf32>
        %swap3A_497 = vector.shape_cast %bitcast_convert_type3A_492 : vector<16xf32> to vector<1x16xf32>
        tpu.vector_store %arg18[%swap3A_493, %swap3A_494], %swap3A_497 {strides = array<i32>} : memref<40x128xf32, #tpu.memory_space<vmem>>, vector<1x16xf32>,
        %get3A_498 = arith.index_cast %scan3A_121 : i32 to index
        %get3A_499 = arith.constant 32 : index
        %get3A_500 = tpu.vector_load %arg10[%get3A_498, %get3A_499] {strides = array<i32>} : memref<40x128xf32, #tpu.memory_space<vmem>>, vector<1x16xf32>,
        %get3A_501 = vector.shape_cast %get3A_500 : vector<1x16xf32> to vector<16xf32>
        %get3A_502 = arith.index_cast %scan3A_121 : i32 to index
        %get3A_503 = arith.constant 32 : index
        %get3A_504 = tpu.vector_load %arg12[%get3A_502, %get3A_503] {strides = array<i32>} : memref<40x128xf32, #tpu.memory_space<vmem>>, vector<1x16xf32>,
        %get3A_505 = vector.shape_cast %get3A_504 : vector<1x16xf32> to vector<16xf32>
        %get3A_506 = arith.index_cast %scan3A_121 : i32 to index
        %get3A_507 = arith.constant 96 : index
        %get3A_508 = tpu.vector_load %arg10[%get3A_506, %get3A_507] {strides = array<i32>} : memref<40x128xf32, #tpu.memory_space<vmem>>, vector<1x16xf32>,
        %get3A_509 = vector.shape_cast %get3A_508 : vector<1x16xf32> to vector<16xf32>
        %get3A_510 = arith.index_cast %scan3A_121 : i32 to index
        %get3A_511 = arith.constant 96 : index
        %get3A_512 = tpu.vector_load %arg12[%get3A_510, %get3A_511] {strides = array<i32>} : memref<40x128xf32, #tpu.memory_space<vmem>>, vector<1x16xf32>,
        %get3A_513 = vector.shape_cast %get3A_512 : vector<1x16xf32> to vector<16xf32>
        %add3A_514 = arith.addf %get3A_501, %get3A_505 : vector<16xf32>
        %add3A_515 = arith.addf %get3A_509, %get3A_513 : vector<16xf32>
        %bitcast_convert_type3A_516 = tpu.bitcast %add3A_514 : vector<16xf32> -> vector<16xi32>
        %bitcast_convert_type3A_517 = tpu.bitcast %add3A_515 : vector<16xf32> -> vector<16xi32>
        %add3A_518 = arith.constant 32768 : i32
        %add3A_519 = vector.broadcast %add3A_518 : i32 to vector<16xi32>
        %add3A_520 = arith.addi %bitcast_convert_type3A_516, %add3A_519 : vector<16xi32>
        %shift_right_logical3A_521 = arith.constant 16 : i32
        %shift_right_logical3A_522 = vector.broadcast %shift_right_logical3A_521 : i32 to vector<16xi32>
        %shift_right_logical3A_523 = arith.shrui %add3A_520, %shift_right_logical3A_522 : vector<16xi32>
        %add3A_524 = arith.constant 32768 : i32
        %add3A_525 = vector.broadcast %add3A_524 : i32 to vector<16xi32>
        %add3A_526 = arith.addi %bitcast_convert_type3A_517, %add3A_525 : vector<16xi32>
        %and3A_527 = arith.constant -65536 : i32
        %and3A_528 = vector.broadcast %and3A_527 : i32 to vector<16xi32>
        %and3A_529 = arith.andi %add3A_526, %and3A_528 : vector<16xi32>
        %or3A_530 = arith.ori %shift_right_logical3A_523, %and3A_529 : vector<16xi32>
        %bitcast_convert_type3A_531 = tpu.bitcast %or3A_530 : vector<16xi32> -> vector<16xf32>
        %swap3A_532 = arith.index_cast %scan3A_121 : i32 to index
        %swap3A_533 = arith.constant 32 : index
        %swap3A_534 = tpu.vector_load %arg18[%swap3A_532, %swap3A_533] {strides = array<i32>} : memref<40x128xf32, #tpu.memory_space<vmem>>, vector<1x16xf32>,
        %swap3A_535 = vector.shape_cast %swap3A_534 : vector<1x16xf32> to vector<16xf32>
        %swap3A_536 = vector.shape_cast %bitcast_convert_type3A_531 : vector<16xf32> to vector<1x16xf32>
        tpu.vector_store %arg18[%swap3A_532, %swap3A_533], %swap3A_536 {strides = array<i32>} : memref<40x128xf32, #tpu.memory_space<vmem>>, vector<1x16xf32>,
        %sub3A_537 = arith.subf %get3A_501, %get3A_505 : vector<16xf32>
        %abs3A_538 = math.absf %sub3A_537 : vector<16xf32>
        %sub3A_539 = arith.subf %get3A_509, %get3A_513 : vector<16xf32>
        %abs3A_540 = math.absf %sub3A_539 : vector<16xf32>
        %bitcast_convert_type3A_541 = tpu.bitcast %abs3A_538 : vector<16xf32> -> vector<16xi32>
        %bitcast_convert_type3A_542 = tpu.bitcast %abs3A_540 : vector<16xf32> -> vector<16xi32>
        %add3A_543 = arith.constant 32768 : i32
        %add3A_544 = vector.broadcast %add3A_543 : i32 to vector<16xi32>
        %add3A_545 = arith.addi %bitcast_convert_type3A_541, %add3A_544 : vector<16xi32>
        %shift_right_logical3A_546 = arith.constant 16 : i32
        %shift_right_logical3A_547 = vector.broadcast %shift_right_logical3A_546 : i32 to vector<16xi32>
        %shift_right_logical3A_548 = arith.shrui %add3A_545, %shift_right_logical3A_547 : vector<16xi32>
        %add3A_549 = arith.constant 32768 : i32
        %add3A_550 = vector.broadcast %add3A_549 : i32 to vector<16xi32>
        %add3A_551 = arith.addi %bitcast_convert_type3A_542, %add3A_550 : vector<16xi32>
        %and3A_552 = arith.constant -65536 : i32
        %and3A_553 = vector.broadcast %and3A_552 : i32 to vector<16xi32>
        %and3A_554 = arith.andi %add3A_551, %and3A_553 : vector<16xi32>
        %or3A_555 = arith.ori %shift_right_logical3A_548, %and3A_554 : vector<16xi32>
        %bitcast_convert_type3A_556 = tpu.bitcast %or3A_555 : vector<16xi32> -> vector<16xf32>
        %swap3A_557 = arith.index_cast %scan3A_121 : i32 to index
        %swap3A_558 = arith.constant 96 : index
        %swap3A_559 = tpu.vector_load %arg18[%swap3A_557, %swap3A_558] {strides = array<i32>} : memref<40x128xf32, #tpu.memory_space<vmem>>, vector<1x16xf32>,
        %swap3A_560 = vector.shape_cast %swap3A_559 : vector<1x16xf32> to vector<16xf32>
        %swap3A_561 = vector.shape_cast %bitcast_convert_type3A_556 : vector<16xf32> to vector<1x16xf32>
        tpu.vector_store %arg18[%swap3A_557, %swap3A_558], %swap3A_561 {strides = array<i32>} : memref<40x128xf32, #tpu.memory_space<vmem>>, vector<1x16xf32>,
        %get3A_562 = arith.index_cast %scan3A_121 : i32 to index
        %get3A_563 = arith.constant 48 : index
        %get3A_564 = tpu.vector_load %arg10[%get3A_562, %get3A_563] {strides = array<i32>} : memref<40x128xf32, #tpu.memory_space<vmem>>, vector<1x16xf32>,
        %get3A_565 = vector.shape_cast %get3A_564 : vector<1x16xf32> to vector<16xf32>
        %get3A_566 = arith.index_cast %scan3A_121 : i32 to index
        %get3A_567 = arith.constant 48 : index
        %get3A_568 = tpu.vector_load %arg12[%get3A_566, %get3A_567] {strides = array<i32>} : memref<40x128xf32, #tpu.memory_space<vmem>>, vector<1x16xf32>,
        %get3A_569 = vector.shape_cast %get3A_568 : vector<1x16xf32> to vector<16xf32>
        %get3A_570 = arith.index_cast %scan3A_121 : i32 to index
        %get3A_571 = arith.constant 112 : index
        %get3A_572 = tpu.vector_load %arg10[%get3A_570, %get3A_571] {strides = array<i32>} : memref<40x128xf32, #tpu.memory_space<vmem>>, vector<1x16xf32>,
        %get3A_573 = vector.shape_cast %get3A_572 : vector<1x16xf32> to vector<16xf32>
        %get3A_574 = arith.index_cast %scan3A_121 : i32 to index
        %get3A_575 = arith.constant 112 : index
        %get3A_576 = tpu.vector_load %arg12[%get3A_574, %get3A_575] {strides = array<i32>} : memref<40x128xf32, #tpu.memory_space<vmem>>, vector<1x16xf32>,
        %get3A_577 = vector.shape_cast %get3A_576 : vector<1x16xf32> to vector<16xf32>
        %add3A_578 = arith.addf %get3A_565, %get3A_569 : vector<16xf32>
        %add3A_579 = arith.addf %get3A_573, %get3A_577 : vector<16xf32>
        %bitcast_convert_type3A_580 = tpu.bitcast %add3A_578 : vector<16xf32> -> vector<16xi32>
        %bitcast_convert_type3A_581 = tpu.bitcast %add3A_579 : vector<16xf32> -> vector<16xi32>
        %add3A_582 = arith.constant 32768 : i32
        %add3A_583 = vector.broadcast %add3A_582 : i32 to vector<16xi32>
        %add3A_584 = arith.addi %bitcast_convert_type3A_580, %add3A_583 : vector<16xi32>
        %shift_right_logical3A_585 = arith.constant 16 : i32
        %shift_right_logical3A_586 = vector.broadcast %shift_right_logical3A_585 : i32 to vector<16xi32>
        %shift_right_logical3A_587 = arith.shrui %add3A_584, %shift_right_logical3A_586 : vector<16xi32>
        %add3A_588 = arith.constant 32768 : i32
        %add3A_589 = vector.broadcast %add3A_588 : i32 to vector<16xi32>
        %add3A_590 = arith.addi %bitcast_convert_type3A_581, %add3A_589 : vector<16xi32>
        %and3A_591 = arith.constant -65536 : i32
        %and3A_592 = vector.broadcast %and3A_591 : i32 to vector<16xi32>
        %and3A_593 = arith.andi %add3A_590, %and3A_592 : vector<16xi32>
        %or3A_594 = arith.ori %shift_right_logical3A_587, %and3A_593 : vector<16xi32>
        %bitcast_convert_type3A_595 = tpu.bitcast %or3A_594 : vector<16xi32> -> vector<16xf32>
        %swap3A_596 = arith.index_cast %scan3A_121 : i32 to index
        %swap3A_597 = arith.constant 48 : index
        %swap3A_598 = tpu.vector_load %arg18[%swap3A_596, %swap3A_597] {strides = array<i32>} : memref<40x128xf32, #tpu.memory_space<vmem>>, vector<1x16xf32>,
        %swap3A_599 = vector.shape_cast %swap3A_598 : vector<1x16xf32> to vector<16xf32>
        %swap3A_600 = vector.shape_cast %bitcast_convert_type3A_595 : vector<16xf32> to vector<1x16xf32>
        tpu.vector_store %arg18[%swap3A_596, %swap3A_597], %swap3A_600 {strides = array<i32>} : memref<40x128xf32, #tpu.memory_space<vmem>>, vector<1x16xf32>,
        %sub3A_601 = arith.subf %get3A_565, %get3A_569 : vector<16xf32>
        %abs3A_602 = math.absf %sub3A_601 : vector<16xf32>
        %sub3A_603 = arith.subf %get3A_573, %get3A_577 : vector<16xf32>
        %abs3A_604 = math.absf %sub3A_603 : vector<16xf32>
        %bitcast_convert_type3A_605 = tpu.bitcast %abs3A_602 : vector<16xf32> -> vector<16xi32>
        %bitcast_convert_type3A_606 = tpu.bitcast %abs3A_604 : vector<16xf32> -> vector<16xi32>
        %add3A_607 = arith.constant 32768 : i32
        %add3A_608 = vector.broadcast %add3A_607 : i32 to vector<16xi32>
        %add3A_609 = arith.addi %bitcast_convert_type3A_605, %add3A_608 : vector<16xi32>
        %shift_right_logical3A_610 = arith.constant 16 : i32
        %shift_right_logical3A_611 = vector.broadcast %shift_right_logical3A_610 : i32 to vector<16xi32>
        %shift_right_logical3A_612 = arith.shrui %add3A_609, %shift_right_logical3A_611 : vector<16xi32>
        %add3A_613 = arith.constant 32768 : i32
        %add3A_614 = vector.broadcast %add3A_613 : i32 to vector<16xi32>
        %add3A_615 = arith.addi %bitcast_convert_type3A_606, %add3A_614 : vector<16xi32>
        %and3A_616 = arith.constant -65536 : i32
        %and3A_617 = vector.broadcast %and3A_616 : i32 to vector<16xi32>
        %and3A_618 = arith.andi %add3A_615, %and3A_617 : vector<16xi32>
        %or3A_619 = arith.ori %shift_right_logical3A_612, %and3A_618 : vector<16xi32>
        %bitcast_convert_type3A_620 = tpu.bitcast %or3A_619 : vector<16xi32> -> vector<16xf32>
        %swap3A_621 = arith.index_cast %scan3A_121 : i32 to index
        %swap3A_622 = arith.constant 112 : index
        %swap3A_623 = tpu.vector_load %arg18[%swap3A_621, %swap3A_622] {strides = array<i32>} : memref<40x128xf32, #tpu.memory_space<vmem>>, vector<1x16xf32>,
        %swap3A_624 = vector.shape_cast %swap3A_623 : vector<1x16xf32> to vector<16xf32>
        %swap3A_625 = vector.shape_cast %bitcast_convert_type3A_620 : vector<16xf32> to vector<1x16xf32>
        tpu.vector_store %arg18[%swap3A_621, %swap3A_622], %swap3A_625 {strides = array<i32>} : memref<40x128xf32, #tpu.memory_space<vmem>>, vector<1x16xf32>,
      }
      %scan3A_98 = arith.constant 40 : i32
      %mul3A_99 = arith.constant 40 : i32
      %mul3A_100 = arith.muli %mul3A_60, %mul3A_99 : i32
      %add3A_101 = arith.addi %mul3A_2, %mul3A_100 : i32
      %multiple_of3A = tpu.assume_multiple %add3A_101, 8 : i32
      %add3A_102 = arith.constant 0 : i32
      %add3A_103 = arith.addi %add3A_102, %multiple_of3A : i32
      %dma_start3A_104 = arith.constant 0 : i32
      %dma_start3A_105 = tpu.memref_slice %arg4[%add3A_103, %dma_start3A_104] : memref<320000x128xf32, #tpu.memory_space<hbm>> -> memref<40x128xf32, #tpu.memory_space<hbm>>
      %dma_start3A_106 = arith.constant 0 : i32
      %dma_start3A_107 = tpu.memref_slice %arg4[%add3A_103, %dma_start3A_106] : memref<320000x128xf32, #tpu.memory_space<hbm>> -> memref<40x128xf32, #tpu.memory_space<hbm>>
      tpu.enqueue_dma source(%arg17 : memref<40x128xf32, #tpu.memory_space<vmem>>) target(%dma_start3A_107 : memref<40x128xf32, #tpu.memory_space<hbm>>) target_semaphore(%arg23 : memref<!tpu.dma_semaphore, #tpu.memory_space<semaphore_mem>>)
      %add3A_108 = arith.constant 160000 : i32
      %add3A_109 = arith.addi %add3A_108, %multiple_of3A : i32
      %dma_start3A_110 = arith.constant 0 : i32
      %dma_start3A_111 = tpu.memref_slice %arg4[%add3A_109, %dma_start3A_110] : memref<320000x128xf32, #tpu.memory_space<hbm>> -> memref<40x128xf32, #tpu.memory_space<hbm>>
      %dma_start3A_112 = arith.constant 0 : i32
      %dma_start3A_113 = tpu.memref_slice %arg4[%add3A_109, %dma_start3A_112] : memref<320000x128xf32, #tpu.memory_space<hbm>> -> memref<40x128xf32, #tpu.memory_space<hbm>>
      tpu.enqueue_dma source(%arg18 : memref<40x128xf32, #tpu.memory_space<vmem>>) target(%dma_start3A_113 : memref<40x128xf32, #tpu.memory_space<hbm>>) target_semaphore(%arg23 : memref<!tpu.dma_semaphore, #tpu.memory_space<semaphore_mem>>)
      %add3A_114 = arith.constant 1 : i32
      %add3A_115 = arith.addi %mul3A_60, %add3A_114 : i32
      %lt3A_116 = arith.constant 125 : i32
      %lt3A_117 = arith.cmpi slt, %add3A_115, %lt3A_116 : i32
      %convert_element_type3A_118 = arith.extui %lt3A_117 : i1 to i32
      %cond3A_119 = arith.constant 0 : i32
      %cond3A_120 = arith.cmpi ne, %convert_element_type3A_118, %cond3A_119 : i32
      scf.if %cond3A_120 {
        %dma_wait3A_121 = arith.constant 0 : i32
        %dma_wait3A_122 = arith.constant 0 : i32
        %dma_wait3A_123 = tpu.memref_slice %arg2[%dma_wait3A_121, %dma_wait3A_122] : memref<160000x128xf32, #tpu.memory_space<hbm>> -> memref<40x128xf32, #tpu.memory_space<hbm>>
        %dma_wait3A_124 = arith.constant 0 : i32
        %dma_wait3A_125 = arith.constant 0 : i32
        %dma_wait3A_126 = tpu.memref_slice %arg2[%dma_wait3A_124, %dma_wait3A_125] : memref<160000x128xf32, #tpu.memory_space<hbm>> -> memref<40x128xf32, #tpu.memory_space<hbm>>
        tpu.wait_dma2 semaphore(%arg22 : memref<!tpu.dma_semaphore, #tpu.memory_space<semaphore_mem>>) src(%dma_wait3A_126 : memref<40x128xf32, #tpu.memory_space<hbm>>) dst(%arg13 : memref<40x128xf32, #tpu.memory_space<vmem>>)
        %dma_wait3A_127 = arith.constant 0 : i32
        %dma_wait3A_128 = arith.constant 0 : i32
        %dma_wait3A_129 = tpu.memref_slice %arg2[%dma_wait3A_127, %dma_wait3A_128] : memref<160000x128xf32, #tpu.memory_space<hbm>> -> memref<40x128xf32, #tpu.memory_space<hbm>>
        %dma_wait3A_130 = arith.constant 0 : i32
        %dma_wait3A_131 = arith.constant 0 : i32
        %dma_wait3A_132 = tpu.memref_slice %arg2[%dma_wait3A_130, %dma_wait3A_131] : memref<160000x128xf32, #tpu.memory_space<hbm>> -> memref<40x128xf32, #tpu.memory_space<hbm>>
        tpu.wait_dma2 semaphore(%arg22 : memref<!tpu.dma_semaphore, #tpu.memory_space<semaphore_mem>>) src(%dma_wait3A_132 : memref<40x128xf32, #tpu.memory_space<hbm>>) dst(%arg14 : memref<40x128xf32, #tpu.memory_space<vmem>>)
        %dma_wait3A_133 = arith.constant 0 : i32
        %dma_wait3A_134 = arith.constant 0 : i32
        %dma_wait3A_135 = tpu.memref_slice %arg2[%dma_wait3A_133, %dma_wait3A_134] : memref<160000x128xf32, #tpu.memory_space<hbm>> -> memref<40x128xf32, #tpu.memory_space<hbm>>
        %dma_wait3A_136 = arith.constant 0 : i32
        %dma_wait3A_137 = arith.constant 0 : i32
        %dma_wait3A_138 = tpu.memref_slice %arg2[%dma_wait3A_136, %dma_wait3A_137] : memref<160000x128xf32, #tpu.memory_space<hbm>> -> memref<40x128xf32, #tpu.memory_space<hbm>>
        tpu.wait_dma2 semaphore(%arg22 : memref<!tpu.dma_semaphore, #tpu.memory_space<semaphore_mem>>) src(%dma_wait3A_138 : memref<40x128xf32, #tpu.memory_space<hbm>>) dst(%arg15 : memref<40x128xf32, #tpu.memory_space<vmem>>)
        %dma_wait3A_139 = arith.constant 0 : i32
        %dma_wait3A_140 = arith.constant 0 : i32
        %dma_wait3A_141 = tpu.memref_slice %arg2[%dma_wait3A_139, %dma_wait3A_140] : memref<160000x128xf32, #tpu.memory_space<hbm>> -> memref<40x128xf32, #tpu.memory_space<hbm>>
        %dma_wait3A_142 = arith.constant 0 : i32
        %dma_wait3A_143 = arith.constant 0 : i32
        %dma_wait3A_144 = tpu.memref_slice %arg2[%dma_wait3A_142, %dma_wait3A_143] : memref<160000x128xf32, #tpu.memory_space<hbm>> -> memref<40x128xf32, #tpu.memory_space<hbm>>
        tpu.wait_dma2 semaphore(%arg22 : memref<!tpu.dma_semaphore, #tpu.memory_space<semaphore_mem>>) src(%dma_wait3A_144 : memref<40x128xf32, #tpu.memory_space<hbm>>) dst(%arg16 : memref<40x128xf32, #tpu.memory_space<vmem>>)
        %add3A_145 = arith.constant 2 : i32
        %add3A_146 = arith.addi %mul3A_60, %add3A_145 : i32
        %lt3A_147 = arith.constant 125 : i32
        %lt3A_148 = arith.cmpi slt, %add3A_146, %lt3A_147 : i32
        %convert_element_type3A_149 = arith.extui %lt3A_148 : i1 to i32
        %cond3A_150 = arith.constant 0 : i32
        %cond3A_151 = arith.cmpi ne, %convert_element_type3A_149, %cond3A_150 : i32
        scf.if %cond3A_151 {
          %add3A_181 = arith.constant 2 : i32
          %add3A_182 = arith.addi %mul3A_60, %add3A_181 : i32
          %mul3A_183 = arith.constant 40 : i32
          %mul3A_184 = arith.muli %add3A_182, %mul3A_183 : i32
          %dma_start3A_185 = tpu.memref_slice %arg5[%mul3A_184] : memref<5000xi32, #tpu.memory_space<vmem>> -> memref<40xi32, #tpu.memory_space<vmem>>
          %dma_start3A_186 = arith.constant 0 : i32
          %dma_start3A_187 = arith.constant 0 : i32
          %dma_start3A_188 = tpu.memref_slice %arg2[%dma_start3A_186, %dma_start3A_187] : memref<160000x128xf32, #tpu.memory_space<hbm>> -> memref<160000x128xf32, #tpu.memory_space<hbm>>
          tpu.enqueue_indirect_dma source(%dma_start3A_188 : memref<160000x128xf32, #tpu.memory_space<hbm>>) target(%arg9 : memref<40x128xf32, #tpu.memory_space<vmem>>) offsets(%dma_start3A_185 : memref<40xi32, #tpu.memory_space<vmem>>) semaphore(%arg21 : memref<!tpu.dma_semaphore, #tpu.memory_space<semaphore_mem>>)
          %mul3A_189 = arith.constant 40 : i32
          %mul3A_190 = arith.muli %add3A_182, %mul3A_189 : i32
          %dma_start3A_191 = tpu.memref_slice %arg6[%mul3A_190] : memref<5000xi32, #tpu.memory_space<vmem>> -> memref<40xi32, #tpu.memory_space<vmem>>
          %dma_start3A_192 = arith.constant 0 : i32
          %dma_start3A_193 = arith.constant 0 : i32
          %dma_start3A_194 = tpu.memref_slice %arg2[%dma_start3A_192, %dma_start3A_193] : memref<160000x128xf32, #tpu.memory_space<hbm>> -> memref<160000x128xf32, #tpu.memory_space<hbm>>
          tpu.enqueue_indirect_dma source(%dma_start3A_194 : memref<160000x128xf32, #tpu.memory_space<hbm>>) target(%arg10 : memref<40x128xf32, #tpu.memory_space<vmem>>) offsets(%dma_start3A_191 : memref<40xi32, #tpu.memory_space<vmem>>) semaphore(%arg21 : memref<!tpu.dma_semaphore, #tpu.memory_space<semaphore_mem>>)
          %mul3A_195 = arith.constant 40 : i32
          %mul3A_196 = arith.muli %add3A_182, %mul3A_195 : i32
          %dma_start3A_197 = tpu.memref_slice %arg7[%mul3A_196] : memref<5000xi32, #tpu.memory_space<vmem>> -> memref<40xi32, #tpu.memory_space<vmem>>
          %dma_start3A_198 = arith.constant 0 : i32
          %dma_start3A_199 = arith.constant 0 : i32
          %dma_start3A_200 = tpu.memref_slice %arg2[%dma_start3A_198, %dma_start3A_199] : memref<160000x128xf32, #tpu.memory_space<hbm>> -> memref<160000x128xf32, #tpu.memory_space<hbm>>
          tpu.enqueue_indirect_dma source(%dma_start3A_200 : memref<160000x128xf32, #tpu.memory_space<hbm>>) target(%arg11 : memref<40x128xf32, #tpu.memory_space<vmem>>) offsets(%dma_start3A_197 : memref<40xi32, #tpu.memory_space<vmem>>) semaphore(%arg21 : memref<!tpu.dma_semaphore, #tpu.memory_space<semaphore_mem>>)
          %mul3A_201 = arith.constant 40 : i32
          %mul3A_202 = arith.muli %add3A_182, %mul3A_201 : i32
          %dma_start3A_203 = tpu.memref_slice %arg8[%mul3A_202] : memref<5000xi32, #tpu.memory_space<vmem>> -> memref<40xi32, #tpu.memory_space<vmem>>
          %dma_start3A_204 = arith.constant 0 : i32
          %dma_start3A_205 = arith.constant 0 : i32
          %dma_start3A_206 = tpu.memref_slice %arg2[%dma_start3A_204, %dma_start3A_205] : memref<160000x128xf32, #tpu.memory_space<hbm>> -> memref<160000x128xf32, #tpu.memory_space<hbm>>
          tpu.enqueue_indirect_dma source(%dma_start3A_206 : memref<160000x128xf32, #tpu.memory_space<hbm>>) target(%arg12 : memref<40x128xf32, #tpu.memory_space<vmem>>) offsets(%dma_start3A_203 : memref<40xi32, #tpu.memory_space<vmem>>) semaphore(%arg21 : memref<!tpu.dma_semaphore, #tpu.memory_space<semaphore_mem>>)
        } else {
        }
        %gt3A_152 = arith.constant 0 : i32
        %gt3A_153 = arith.cmpi sgt, %scan3A_58, %gt3A_152 : i32
        %convert_element_type3A_154 = arith.extui %gt3A_153 : i1 to i32
        %cond3A_155 = arith.constant 0 : i32
        %cond3A_156 = arith.cmpi ne, %convert_element_type3A_154, %cond3A_155 : i32
        scf.if %cond3A_156 {
          %dma_wait3A_181 = arith.constant 0 : i32
          %dma_wait3A_182 = arith.constant 0 : i32
          %dma_wait3A_183 = tpu.memref_slice %arg2[%dma_wait3A_181, %dma_wait3A_182] : memref<160000x128xf32, #tpu.memory_space<hbm>> -> memref<40x128xf32, #tpu.memory_space<hbm>>
          %dma_wait3A_184 = arith.constant 0 : i32
          %dma_wait3A_185 = arith.constant 0 : i32
          %dma_wait3A_186 = tpu.memref_slice %arg2[%dma_wait3A_184, %dma_wait3A_185] : memref<160000x128xf32, #tpu.memory_space<hbm>> -> memref<40x128xf32, #tpu.memory_space<hbm>>
          tpu.wait_dma2 semaphore(%arg24 : memref<!tpu.dma_semaphore, #tpu.memory_space<semaphore_mem>>) src(%dma_wait3A_186 : memref<40x128xf32, #tpu.memory_space<hbm>>) dst(%arg19 : memref<40x128xf32, #tpu.memory_space<vmem>>)
          %dma_wait3A_187 = arith.constant 0 : i32
          %dma_wait3A_188 = arith.constant 0 : i32
          %dma_wait3A_189 = tpu.memref_slice %arg2[%dma_wait3A_187, %dma_wait3A_188] : memref<160000x128xf32, #tpu.memory_space<hbm>> -> memref<40x128xf32, #tpu.memory_space<hbm>>
          %dma_wait3A_190 = arith.constant 0 : i32
          %dma_wait3A_191 = arith.constant 0 : i32
          %dma_wait3A_192 = tpu.memref_slice %arg2[%dma_wait3A_190, %dma_wait3A_191] : memref<160000x128xf32, #tpu.memory_space<hbm>> -> memref<40x128xf32, #tpu.memory_space<hbm>>
          tpu.wait_dma2 semaphore(%arg24 : memref<!tpu.dma_semaphore, #tpu.memory_space<semaphore_mem>>) src(%dma_wait3A_192 : memref<40x128xf32, #tpu.memory_space<hbm>>) dst(%arg20 : memref<40x128xf32, #tpu.memory_space<vmem>>)
        } else {
        }
        %scan3A_157 = arith.constant 0 : i32
        %scan3A_158 = arith.constant 0 : i32
        %scan3A_159 = arith.constant 40 : i32
        %scan3A_160 = arith.addi %scan3A_158, %scan3A_159 : i32
        %scan3A_161 = arith.constant 1 : i32
        scf.for %scan3A_181 = %scan3A_158 to %scan3A_160 step %scan3A_161  : i32 {
          %get3A = arith.index_cast %scan3A_181 : i32 to index
          %get3A_182 = arith.constant 0 : index
          %get3A_183 = tpu.vector_load %arg13[%get3A, %get3A_182] {strides = array<i32>} : memref<40x128xf32, #tpu.memory_space<vmem>>, vector<1x16xf32>,
          %get3A_184 = vector.shape_cast %get3A_183 : vector<1x16xf32> to vector<16xf32>
          %get3A_185 = arith.index_cast %scan3A_181 : i32 to index
          %get3A_186 = arith.constant 0 : index
          %get3A_187 = tpu.vector_load %arg15[%get3A_185, %get3A_186] {strides = array<i32>} : memref<40x128xf32, #tpu.memory_space<vmem>>, vector<1x16xf32>,
          %get3A_188 = vector.shape_cast %get3A_187 : vector<1x16xf32> to vector<16xf32>
          %get3A_189 = arith.index_cast %scan3A_181 : i32 to index
          %get3A_190 = arith.constant 64 : index
          %get3A_191 = tpu.vector_load %arg13[%get3A_189, %get3A_190] {strides = array<i32>} : memref<40x128xf32, #tpu.memory_space<vmem>>, vector<1x16xf32>,
          %get3A_192 = vector.shape_cast %get3A_191 : vector<1x16xf32> to vector<16xf32>
          %get3A_193 = arith.index_cast %scan3A_181 : i32 to index
          %get3A_194 = arith.constant 64 : index
          %get3A_195 = tpu.vector_load %arg15[%get3A_193, %get3A_194] {strides = array<i32>} : memref<40x128xf32, #tpu.memory_space<vmem>>, vector<1x16xf32>,
          %get3A_196 = vector.shape_cast %get3A_195 : vector<1x16xf32> to vector<16xf32>
          %add3A_197 = arith.addf %get3A_184, %get3A_188 : vector<16xf32>
          %add3A_198 = arith.addf %get3A_192, %get3A_196 : vector<16xf32>
          %bitcast_convert_type3A = tpu.bitcast %add3A_197 : vector<16xf32> -> vector<16xi32>
          %bitcast_convert_type3A_199 = tpu.bitcast %add3A_198 : vector<16xf32> -> vector<16xi32>
          %add3A_200 = arith.constant 32768 : i32
          %add3A_201 = vector.broadcast %add3A_200 : i32 to vector<16xi32>
          %add3A_202 = arith.addi %bitcast_convert_type3A, %add3A_201 : vector<16xi32>
          %shift_right_logical3A = arith.constant 16 : i32
          %shift_right_logical3A_203 = vector.broadcast %shift_right_logical3A : i32 to vector<16xi32>
          %shift_right_logical3A_204 = arith.shrui %add3A_202, %shift_right_logical3A_203 : vector<16xi32>
          %add3A_205 = arith.constant 32768 : i32
          %add3A_206 = vector.broadcast %add3A_205 : i32 to vector<16xi32>
          %add3A_207 = arith.addi %bitcast_convert_type3A_199, %add3A_206 : vector<16xi32>
          %and3A = arith.constant -65536 : i32
          %and3A_208 = vector.broadcast %and3A : i32 to vector<16xi32>
          %and3A_209 = arith.andi %add3A_207, %and3A_208 : vector<16xi32>
          %or3A = arith.ori %shift_right_logical3A_204, %and3A_209 : vector<16xi32>
          %bitcast_convert_type3A_210 = tpu.bitcast %or3A : vector<16xi32> -> vector<16xf32>
          %swap3A = arith.index_cast %scan3A_181 : i32 to index
          %swap3A_211 = arith.constant 0 : index
          %swap3A_212 = tpu.vector_load %arg19[%swap3A, %swap3A_211] {strides = array<i32>} : memref<40x128xf32, #tpu.memory_space<vmem>>, vector<1x16xf32>,
          %swap3A_213 = vector.shape_cast %swap3A_212 : vector<1x16xf32> to vector<16xf32>
          %swap3A_214 = vector.shape_cast %bitcast_convert_type3A_210 : vector<16xf32> to vector<1x16xf32>
          tpu.vector_store %arg19[%swap3A, %swap3A_211], %swap3A_214 {strides = array<i32>} : memref<40x128xf32, #tpu.memory_space<vmem>>, vector<1x16xf32>,
          %sub3A = arith.subf %get3A_184, %get3A_188 : vector<16xf32>
          %abs3A = math.absf %sub3A : vector<16xf32>
          %sub3A_215 = arith.subf %get3A_192, %get3A_196 : vector<16xf32>
          %abs3A_216 = math.absf %sub3A_215 : vector<16xf32>
          %bitcast_convert_type3A_217 = tpu.bitcast %abs3A : vector<16xf32> -> vector<16xi32>
          %bitcast_convert_type3A_218 = tpu.bitcast %abs3A_216 : vector<16xf32> -> vector<16xi32>
          %add3A_219 = arith.constant 32768 : i32
          %add3A_220 = vector.broadcast %add3A_219 : i32 to vector<16xi32>
          %add3A_221 = arith.addi %bitcast_convert_type3A_217, %add3A_220 : vector<16xi32>
          %shift_right_logical3A_222 = arith.constant 16 : i32
          %shift_right_logical3A_223 = vector.broadcast %shift_right_logical3A_222 : i32 to vector<16xi32>
          %shift_right_logical3A_224 = arith.shrui %add3A_221, %shift_right_logical3A_223 : vector<16xi32>
          %add3A_225 = arith.constant 32768 : i32
          %add3A_226 = vector.broadcast %add3A_225 : i32 to vector<16xi32>
          %add3A_227 = arith.addi %bitcast_convert_type3A_218, %add3A_226 : vector<16xi32>
          %and3A_228 = arith.constant -65536 : i32
          %and3A_229 = vector.broadcast %and3A_228 : i32 to vector<16xi32>
          %and3A_230 = arith.andi %add3A_227, %and3A_229 : vector<16xi32>
          %or3A_231 = arith.ori %shift_right_logical3A_224, %and3A_230 : vector<16xi32>
          %bitcast_convert_type3A_232 = tpu.bitcast %or3A_231 : vector<16xi32> -> vector<16xf32>
          %swap3A_233 = arith.index_cast %scan3A_181 : i32 to index
          %swap3A_234 = arith.constant 64 : index
          %swap3A_235 = tpu.vector_load %arg19[%swap3A_233, %swap3A_234] {strides = array<i32>} : memref<40x128xf32, #tpu.memory_space<vmem>>, vector<1x16xf32>,
          %swap3A_236 = vector.shape_cast %swap3A_235 : vector<1x16xf32> to vector<16xf32>
          %swap3A_237 = vector.shape_cast %bitcast_convert_type3A_232 : vector<16xf32> to vector<1x16xf32>
          tpu.vector_store %arg19[%swap3A_233, %swap3A_234], %swap3A_237 {strides = array<i32>} : memref<40x128xf32, #tpu.memory_space<vmem>>, vector<1x16xf32>,
          %get3A_238 = arith.index_cast %scan3A_181 : i32 to index
          %get3A_239 = arith.constant 16 : index
          %get3A_240 = tpu.vector_load %arg13[%get3A_238, %get3A_239] {strides = array<i32>} : memref<40x128xf32, #tpu.memory_space<vmem>>, vector<1x16xf32>,
          %get3A_241 = vector.shape_cast %get3A_240 : vector<1x16xf32> to vector<16xf32>
          %get3A_242 = arith.index_cast %scan3A_181 : i32 to index
          %get3A_243 = arith.constant 16 : index
          %get3A_244 = tpu.vector_load %arg15[%get3A_242, %get3A_243] {strides = array<i32>} : memref<40x128xf32, #tpu.memory_space<vmem>>, vector<1x16xf32>,
          %get3A_245 = vector.shape_cast %get3A_244 : vector<1x16xf32> to vector<16xf32>
          %get3A_246 = arith.index_cast %scan3A_181 : i32 to index
          %get3A_247 = arith.constant 80 : index
          %get3A_248 = tpu.vector_load %arg13[%get3A_246, %get3A_247] {strides = array<i32>} : memref<40x128xf32, #tpu.memory_space<vmem>>, vector<1x16xf32>,
          %get3A_249 = vector.shape_cast %get3A_248 : vector<1x16xf32> to vector<16xf32>
          %get3A_250 = arith.index_cast %scan3A_181 : i32 to index
          %get3A_251 = arith.constant 80 : index
          %get3A_252 = tpu.vector_load %arg15[%get3A_250, %get3A_251] {strides = array<i32>} : memref<40x128xf32, #tpu.memory_space<vmem>>, vector<1x16xf32>,
          %get3A_253 = vector.shape_cast %get3A_252 : vector<1x16xf32> to vector<16xf32>
          %add3A_254 = arith.addf %get3A_241, %get3A_245 : vector<16xf32>
          %add3A_255 = arith.addf %get3A_249, %get3A_253 : vector<16xf32>
          %bitcast_convert_type3A_256 = tpu.bitcast %add3A_254 : vector<16xf32> -> vector<16xi32>
          %bitcast_convert_type3A_257 = tpu.bitcast %add3A_255 : vector<16xf32> -> vector<16xi32>
          %add3A_258 = arith.constant 32768 : i32
          %add3A_259 = vector.broadcast %add3A_258 : i32 to vector<16xi32>
          %add3A_260 = arith.addi %bitcast_convert_type3A_256, %add3A_259 : vector<16xi32>
          %shift_right_logical3A_261 = arith.constant 16 : i32
          %shift_right_logical3A_262 = vector.broadcast %shift_right_logical3A_261 : i32 to vector<16xi32>
          %shift_right_logical3A_263 = arith.shrui %add3A_260, %shift_right_logical3A_262 : vector<16xi32>
          %add3A_264 = arith.constant 32768 : i32
          %add3A_265 = vector.broadcast %add3A_264 : i32 to vector<16xi32>
          %add3A_266 = arith.addi %bitcast_convert_type3A_257, %add3A_265 : vector<16xi32>
          %and3A_267 = arith.constant -65536 : i32
          %and3A_268 = vector.broadcast %and3A_267 : i32 to vector<16xi32>
          %and3A_269 = arith.andi %add3A_266, %and3A_268 : vector<16xi32>
          %or3A_270 = arith.ori %shift_right_logical3A_263, %and3A_269 : vector<16xi32>
          %bitcast_convert_type3A_271 = tpu.bitcast %or3A_270 : vector<16xi32> -> vector<16xf32>
          %swap3A_272 = arith.index_cast %scan3A_181 : i32 to index
          %swap3A_273 = arith.constant 16 : index
          %swap3A_274 = tpu.vector_load %arg19[%swap3A_272, %swap3A_273] {strides = array<i32>} : memref<40x128xf32, #tpu.memory_space<vmem>>, vector<1x16xf32>,
          %swap3A_275 = vector.shape_cast %swap3A_274 : vector<1x16xf32> to vector<16xf32>
          %swap3A_276 = vector.shape_cast %bitcast_convert_type3A_271 : vector<16xf32> to vector<1x16xf32>
          tpu.vector_store %arg19[%swap3A_272, %swap3A_273], %swap3A_276 {strides = array<i32>} : memref<40x128xf32, #tpu.memory_space<vmem>>, vector<1x16xf32>,
          %sub3A_277 = arith.subf %get3A_241, %get3A_245 : vector<16xf32>
          %abs3A_278 = math.absf %sub3A_277 : vector<16xf32>
          %sub3A_279 = arith.subf %get3A_249, %get3A_253 : vector<16xf32>
          %abs3A_280 = math.absf %sub3A_279 : vector<16xf32>
          %bitcast_convert_type3A_281 = tpu.bitcast %abs3A_278 : vector<16xf32> -> vector<16xi32>
          %bitcast_convert_type3A_282 = tpu.bitcast %abs3A_280 : vector<16xf32> -> vector<16xi32>
          %add3A_283 = arith.constant 32768 : i32
          %add3A_284 = vector.broadcast %add3A_283 : i32 to vector<16xi32>
          %add3A_285 = arith.addi %bitcast_convert_type3A_281, %add3A_284 : vector<16xi32>
          %shift_right_logical3A_286 = arith.constant 16 : i32
          %shift_right_logical3A_287 = vector.broadcast %shift_right_logical3A_286 : i32 to vector<16xi32>
          %shift_right_logical3A_288 = arith.shrui %add3A_285, %shift_right_logical3A_287 : vector<16xi32>
          %add3A_289 = arith.constant 32768 : i32
          %add3A_290 = vector.broadcast %add3A_289 : i32 to vector<16xi32>
          %add3A_291 = arith.addi %bitcast_convert_type3A_282, %add3A_290 : vector<16xi32>
          %and3A_292 = arith.constant -65536 : i32
          %and3A_293 = vector.broadcast %and3A_292 : i32 to vector<16xi32>
          %and3A_294 = arith.andi %add3A_291, %and3A_293 : vector<16xi32>
          %or3A_295 = arith.ori %shift_right_logical3A_288, %and3A_294 : vector<16xi32>
          %bitcast_convert_type3A_296 = tpu.bitcast %or3A_295 : vector<16xi32> -> vector<16xf32>
          %swap3A_297 = arith.index_cast %scan3A_181 : i32 to index
          %swap3A_298 = arith.constant 80 : index
          %swap3A_299 = tpu.vector_load %arg19[%swap3A_297, %swap3A_298] {strides = array<i32>} : memref<40x128xf32, #tpu.memory_space<vmem>>, vector<1x16xf32>,
          %swap3A_300 = vector.shape_cast %swap3A_299 : vector<1x16xf32> to vector<16xf32>
          %swap3A_301 = vector.shape_cast %bitcast_convert_type3A_296 : vector<16xf32> to vector<1x16xf32>
          tpu.vector_store %arg19[%swap3A_297, %swap3A_298], %swap3A_301 {strides = array<i32>} : memref<40x128xf32, #tpu.memory_space<vmem>>, vector<1x16xf32>,
          %get3A_302 = arith.index_cast %scan3A_181 : i32 to index
          %get3A_303 = arith.constant 32 : index
          %get3A_304 = tpu.vector_load %arg13[%get3A_302, %get3A_303] {strides = array<i32>} : memref<40x128xf32, #tpu.memory_space<vmem>>, vector<1x16xf32>,
          %get3A_305 = vector.shape_cast %get3A_304 : vector<1x16xf32> to vector<16xf32>
          %get3A_306 = arith.index_cast %scan3A_181 : i32 to index
          %get3A_307 = arith.constant 32 : index
          %get3A_308 = tpu.vector_load %arg15[%get3A_306, %get3A_307] {strides = array<i32>} : memref<40x128xf32, #tpu.memory_space<vmem>>, vector<1x16xf32>,
          %get3A_309 = vector.shape_cast %get3A_308 : vector<1x16xf32> to vector<16xf32>
          %get3A_310 = arith.index_cast %scan3A_181 : i32 to index
          %get3A_311 = arith.constant 96 : index
          %get3A_312 = tpu.vector_load %arg13[%get3A_310, %get3A_311] {strides = array<i32>} : memref<40x128xf32, #tpu.memory_space<vmem>>, vector<1x16xf32>,
          %get3A_313 = vector.shape_cast %get3A_312 : vector<1x16xf32> to vector<16xf32>
          %get3A_314 = arith.index_cast %scan3A_181 : i32 to index
          %get3A_315 = arith.constant 96 : index
          %get3A_316 = tpu.vector_load %arg15[%get3A_314, %get3A_315] {strides = array<i32>} : memref<40x128xf32, #tpu.memory_space<vmem>>, vector<1x16xf32>,
          %get3A_317 = vector.shape_cast %get3A_316 : vector<1x16xf32> to vector<16xf32>
          %add3A_318 = arith.addf %get3A_305, %get3A_309 : vector<16xf32>
          %add3A_319 = arith.addf %get3A_313, %get3A_317 : vector<16xf32>
          %bitcast_convert_type3A_320 = tpu.bitcast %add3A_318 : vector<16xf32> -> vector<16xi32>
          %bitcast_convert_type3A_321 = tpu.bitcast %add3A_319 : vector<16xf32> -> vector<16xi32>
          %add3A_322 = arith.constant 32768 : i32
          %add3A_323 = vector.broadcast %add3A_322 : i32 to vector<16xi32>
          %add3A_324 = arith.addi %bitcast_convert_type3A_320, %add3A_323 : vector<16xi32>
          %shift_right_logical3A_325 = arith.constant 16 : i32
          %shift_right_logical3A_326 = vector.broadcast %shift_right_logical3A_325 : i32 to vector<16xi32>
          %shift_right_logical3A_327 = arith.shrui %add3A_324, %shift_right_logical3A_326 : vector<16xi32>
          %add3A_328 = arith.constant 32768 : i32
          %add3A_329 = vector.broadcast %add3A_328 : i32 to vector<16xi32>
          %add3A_330 = arith.addi %bitcast_convert_type3A_321, %add3A_329 : vector<16xi32>
          %and3A_331 = arith.constant -65536 : i32
          %and3A_332 = vector.broadcast %and3A_331 : i32 to vector<16xi32>
          %and3A_333 = arith.andi %add3A_330, %and3A_332 : vector<16xi32>
          %or3A_334 = arith.ori %shift_right_logical3A_327, %and3A_333 : vector<16xi32>
          %bitcast_convert_type3A_335 = tpu.bitcast %or3A_334 : vector<16xi32> -> vector<16xf32>
          %swap3A_336 = arith.index_cast %scan3A_181 : i32 to index
          %swap3A_337 = arith.constant 32 : index
          %swap3A_338 = tpu.vector_load %arg19[%swap3A_336, %swap3A_337] {strides = array<i32>} : memref<40x128xf32, #tpu.memory_space<vmem>>, vector<1x16xf32>,
          %swap3A_339 = vector.shape_cast %swap3A_338 : vector<1x16xf32> to vector<16xf32>
          %swap3A_340 = vector.shape_cast %bitcast_convert_type3A_335 : vector<16xf32> to vector<1x16xf32>
          tpu.vector_store %arg19[%swap3A_336, %swap3A_337], %swap3A_340 {strides = array<i32>} : memref<40x128xf32, #tpu.memory_space<vmem>>, vector<1x16xf32>,
          %sub3A_341 = arith.subf %get3A_305, %get3A_309 : vector<16xf32>
          %abs3A_342 = math.absf %sub3A_341 : vector<16xf32>
          %sub3A_343 = arith.subf %get3A_313, %get3A_317 : vector<16xf32>
          %abs3A_344 = math.absf %sub3A_343 : vector<16xf32>
          %bitcast_convert_type3A_345 = tpu.bitcast %abs3A_342 : vector<16xf32> -> vector<16xi32>
          %bitcast_convert_type3A_346 = tpu.bitcast %abs3A_344 : vector<16xf32> -> vector<16xi32>
          %add3A_347 = arith.constant 32768 : i32
          %add3A_348 = vector.broadcast %add3A_347 : i32 to vector<16xi32>
          %add3A_349 = arith.addi %bitcast_convert_type3A_345, %add3A_348 : vector<16xi32>
          %shift_right_logical3A_350 = arith.constant 16 : i32
          %shift_right_logical3A_351 = vector.broadcast %shift_right_logical3A_350 : i32 to vector<16xi32>
          %shift_right_logical3A_352 = arith.shrui %add3A_349, %shift_right_logical3A_351 : vector<16xi32>
          %add3A_353 = arith.constant 32768 : i32
          %add3A_354 = vector.broadcast %add3A_353 : i32 to vector<16xi32>
          %add3A_355 = arith.addi %bitcast_convert_type3A_346, %add3A_354 : vector<16xi32>
          %and3A_356 = arith.constant -65536 : i32
          %and3A_357 = vector.broadcast %and3A_356 : i32 to vector<16xi32>
          %and3A_358 = arith.andi %add3A_355, %and3A_357 : vector<16xi32>
          %or3A_359 = arith.ori %shift_right_logical3A_352, %and3A_358 : vector<16xi32>
          %bitcast_convert_type3A_360 = tpu.bitcast %or3A_359 : vector<16xi32> -> vector<16xf32>
          %swap3A_361 = arith.index_cast %scan3A_181 : i32 to index
          %swap3A_362 = arith.constant 96 : index
          %swap3A_363 = tpu.vector_load %arg19[%swap3A_361, %swap3A_362] {strides = array<i32>} : memref<40x128xf32, #tpu.memory_space<vmem>>, vector<1x16xf32>,
          %swap3A_364 = vector.shape_cast %swap3A_363 : vector<1x16xf32> to vector<16xf32>
          %swap3A_365 = vector.shape_cast %bitcast_convert_type3A_360 : vector<16xf32> to vector<1x16xf32>
          tpu.vector_store %arg19[%swap3A_361, %swap3A_362], %swap3A_365 {strides = array<i32>} : memref<40x128xf32, #tpu.memory_space<vmem>>, vector<1x16xf32>,
          %get3A_366 = arith.index_cast %scan3A_181 : i32 to index
          %get3A_367 = arith.constant 48 : index
          %get3A_368 = tpu.vector_load %arg13[%get3A_366, %get3A_367] {strides = array<i32>} : memref<40x128xf32, #tpu.memory_space<vmem>>, vector<1x16xf32>,
          %get3A_369 = vector.shape_cast %get3A_368 : vector<1x16xf32> to vector<16xf32>
          %get3A_370 = arith.index_cast %scan3A_181 : i32 to index
          %get3A_371 = arith.constant 48 : index
          %get3A_372 = tpu.vector_load %arg15[%get3A_370, %get3A_371] {strides = array<i32>} : memref<40x128xf32, #tpu.memory_space<vmem>>, vector<1x16xf32>,
          %get3A_373 = vector.shape_cast %get3A_372 : vector<1x16xf32> to vector<16xf32>
          %get3A_374 = arith.index_cast %scan3A_181 : i32 to index
          %get3A_375 = arith.constant 112 : index
          %get3A_376 = tpu.vector_load %arg13[%get3A_374, %get3A_375] {strides = array<i32>} : memref<40x128xf32, #tpu.memory_space<vmem>>, vector<1x16xf32>,
          %get3A_377 = vector.shape_cast %get3A_376 : vector<1x16xf32> to vector<16xf32>
          %get3A_378 = arith.index_cast %scan3A_181 : i32 to index
          %get3A_379 = arith.constant 112 : index
          %get3A_380 = tpu.vector_load %arg15[%get3A_378, %get3A_379] {strides = array<i32>} : memref<40x128xf32, #tpu.memory_space<vmem>>, vector<1x16xf32>,
          %get3A_381 = vector.shape_cast %get3A_380 : vector<1x16xf32> to vector<16xf32>
          %add3A_382 = arith.addf %get3A_369, %get3A_373 : vector<16xf32>
          %add3A_383 = arith.addf %get3A_377, %get3A_381 : vector<16xf32>
          %bitcast_convert_type3A_384 = tpu.bitcast %add3A_382 : vector<16xf32> -> vector<16xi32>
          %bitcast_convert_type3A_385 = tpu.bitcast %add3A_383 : vector<16xf32> -> vector<16xi32>
          %add3A_386 = arith.constant 32768 : i32
          %add3A_387 = vector.broadcast %add3A_386 : i32 to vector<16xi32>
          %add3A_388 = arith.addi %bitcast_convert_type3A_384, %add3A_387 : vector<16xi32>
          %shift_right_logical3A_389 = arith.constant 16 : i32
          %shift_right_logical3A_390 = vector.broadcast %shift_right_logical3A_389 : i32 to vector<16xi32>
          %shift_right_logical3A_391 = arith.shrui %add3A_388, %shift_right_logical3A_390 : vector<16xi32>
          %add3A_392 = arith.constant 32768 : i32
          %add3A_393 = vector.broadcast %add3A_392 : i32 to vector<16xi32>
          %add3A_394 = arith.addi %bitcast_convert_type3A_385, %add3A_393 : vector<16xi32>
          %and3A_395 = arith.constant -65536 : i32
          %and3A_396 = vector.broadcast %and3A_395 : i32 to vector<16xi32>
          %and3A_397 = arith.andi %add3A_394, %and3A_396 : vector<16xi32>
          %or3A_398 = arith.ori %shift_right_logical3A_391, %and3A_397 : vector<16xi32>
          %bitcast_convert_type3A_399 = tpu.bitcast %or3A_398 : vector<16xi32> -> vector<16xf32>
          %swap3A_400 = arith.index_cast %scan3A_181 : i32 to index
          %swap3A_401 = arith.constant 48 : index
          %swap3A_402 = tpu.vector_load %arg19[%swap3A_400, %swap3A_401] {strides = array<i32>} : memref<40x128xf32, #tpu.memory_space<vmem>>, vector<1x16xf32>,
          %swap3A_403 = vector.shape_cast %swap3A_402 : vector<1x16xf32> to vector<16xf32>
          %swap3A_404 = vector.shape_cast %bitcast_convert_type3A_399 : vector<16xf32> to vector<1x16xf32>
          tpu.vector_store %arg19[%swap3A_400, %swap3A_401], %swap3A_404 {strides = array<i32>} : memref<40x128xf32, #tpu.memory_space<vmem>>, vector<1x16xf32>,
          %sub3A_405 = arith.subf %get3A_369, %get3A_373 : vector<16xf32>
          %abs3A_406 = math.absf %sub3A_405 : vector<16xf32>
          %sub3A_407 = arith.subf %get3A_377, %get3A_381 : vector<16xf32>
          %abs3A_408 = math.absf %sub3A_407 : vector<16xf32>
          %bitcast_convert_type3A_409 = tpu.bitcast %abs3A_406 : vector<16xf32> -> vector<16xi32>
          %bitcast_convert_type3A_410 = tpu.bitcast %abs3A_408 : vector<16xf32> -> vector<16xi32>
          %add3A_411 = arith.constant 32768 : i32
          %add3A_412 = vector.broadcast %add3A_411 : i32 to vector<16xi32>
          %add3A_413 = arith.addi %bitcast_convert_type3A_409, %add3A_412 : vector<16xi32>
          %shift_right_logical3A_414 = arith.constant 16 : i32
          %shift_right_logical3A_415 = vector.broadcast %shift_right_logical3A_414 : i32 to vector<16xi32>
          %shift_right_logical3A_416 = arith.shrui %add3A_413, %shift_right_logical3A_415 : vector<16xi32>
          %add3A_417 = arith.constant 32768 : i32
          %add3A_418 = vector.broadcast %add3A_417 : i32 to vector<16xi32>
          %add3A_419 = arith.addi %bitcast_convert_type3A_410, %add3A_418 : vector<16xi32>
          %and3A_420 = arith.constant -65536 : i32
          %and3A_421 = vector.broadcast %and3A_420 : i32 to vector<16xi32>
          %and3A_422 = arith.andi %add3A_419, %and3A_421 : vector<16xi32>
          %or3A_423 = arith.ori %shift_right_logical3A_416, %and3A_422 : vector<16xi32>
          %bitcast_convert_type3A_424 = tpu.bitcast %or3A_423 : vector<16xi32> -> vector<16xf32>
          %swap3A_425 = arith.index_cast %scan3A_181 : i32 to index
          %swap3A_426 = arith.constant 112 : index
          %swap3A_427 = tpu.vector_load %arg19[%swap3A_425, %swap3A_426] {strides = array<i32>} : memref<40x128xf32, #tpu.memory_space<vmem>>, vector<1x16xf32>,
          %swap3A_428 = vector.shape_cast %swap3A_427 : vector<1x16xf32> to vector<16xf32>
          %swap3A_429 = vector.shape_cast %bitcast_convert_type3A_424 : vector<16xf32> to vector<1x16xf32>
          tpu.vector_store %arg19[%swap3A_425, %swap3A_426], %swap3A_429 {strides = array<i32>} : memref<40x128xf32, #tpu.memory_space<vmem>>, vector<1x16xf32>,
          %get3A_430 = arith.index_cast %scan3A_181 : i32 to index
          %get3A_431 = arith.constant 0 : index
          %get3A_432 = tpu.vector_load %arg14[%get3A_430, %get3A_431] {strides = array<i32>} : memref<40x128xf32, #tpu.memory_space<vmem>>, vector<1x16xf32>,
          %get3A_433 = vector.shape_cast %get3A_432 : vector<1x16xf32> to vector<16xf32>
          %get3A_434 = arith.index_cast %scan3A_181 : i32 to index
          %get3A_435 = arith.constant 0 : index
          %get3A_436 = tpu.vector_load %arg16[%get3A_434, %get3A_435] {strides = array<i32>} : memref<40x128xf32, #tpu.memory_space<vmem>>, vector<1x16xf32>,
          %get3A_437 = vector.shape_cast %get3A_436 : vector<1x16xf32> to vector<16xf32>
          %get3A_438 = arith.index_cast %scan3A_181 : i32 to index
          %get3A_439 = arith.constant 64 : index
          %get3A_440 = tpu.vector_load %arg14[%get3A_438, %get3A_439] {strides = array<i32>} : memref<40x128xf32, #tpu.memory_space<vmem>>, vector<1x16xf32>,
          %get3A_441 = vector.shape_cast %get3A_440 : vector<1x16xf32> to vector<16xf32>
          %get3A_442 = arith.index_cast %scan3A_181 : i32 to index
          %get3A_443 = arith.constant 64 : index
          %get3A_444 = tpu.vector_load %arg16[%get3A_442, %get3A_443] {strides = array<i32>} : memref<40x128xf32, #tpu.memory_space<vmem>>, vector<1x16xf32>,
          %get3A_445 = vector.shape_cast %get3A_444 : vector<1x16xf32> to vector<16xf32>
          %add3A_446 = arith.addf %get3A_433, %get3A_437 : vector<16xf32>
          %add3A_447 = arith.addf %get3A_441, %get3A_445 : vector<16xf32>
          %bitcast_convert_type3A_448 = tpu.bitcast %add3A_446 : vector<16xf32> -> vector<16xi32>
          %bitcast_convert_type3A_449 = tpu.bitcast %add3A_447 : vector<16xf32> -> vector<16xi32>
          %add3A_450 = arith.constant 32768 : i32
          %add3A_451 = vector.broadcast %add3A_450 : i32 to vector<16xi32>
          %add3A_452 = arith.addi %bitcast_convert_type3A_448, %add3A_451 : vector<16xi32>
          %shift_right_logical3A_453 = arith.constant 16 : i32
          %shift_right_logical3A_454 = vector.broadcast %shift_right_logical3A_453 : i32 to vector<16xi32>
          %shift_right_logical3A_455 = arith.shrui %add3A_452, %shift_right_logical3A_454 : vector<16xi32>
          %add3A_456 = arith.constant 32768 : i32
          %add3A_457 = vector.broadcast %add3A_456 : i32 to vector<16xi32>
          %add3A_458 = arith.addi %bitcast_convert_type3A_449, %add3A_457 : vector<16xi32>
          %and3A_459 = arith.constant -65536 : i32
          %and3A_460 = vector.broadcast %and3A_459 : i32 to vector<16xi32>
          %and3A_461 = arith.andi %add3A_458, %and3A_460 : vector<16xi32>
          %or3A_462 = arith.ori %shift_right_logical3A_455, %and3A_461 : vector<16xi32>
          %bitcast_convert_type3A_463 = tpu.bitcast %or3A_462 : vector<16xi32> -> vector<16xf32>
          %swap3A_464 = arith.index_cast %scan3A_181 : i32 to index
          %swap3A_465 = arith.constant 0 : index
          %swap3A_466 = tpu.vector_load %arg20[%swap3A_464, %swap3A_465] {strides = array<i32>} : memref<40x128xf32, #tpu.memory_space<vmem>>, vector<1x16xf32>,
          %swap3A_467 = vector.shape_cast %swap3A_466 : vector<1x16xf32> to vector<16xf32>
          %swap3A_468 = vector.shape_cast %bitcast_convert_type3A_463 : vector<16xf32> to vector<1x16xf32>
          tpu.vector_store %arg20[%swap3A_464, %swap3A_465], %swap3A_468 {strides = array<i32>} : memref<40x128xf32, #tpu.memory_space<vmem>>, vector<1x16xf32>,
          %sub3A_469 = arith.subf %get3A_433, %get3A_437 : vector<16xf32>
          %abs3A_470 = math.absf %sub3A_469 : vector<16xf32>
          %sub3A_471 = arith.subf %get3A_441, %get3A_445 : vector<16xf32>
          %abs3A_472 = math.absf %sub3A_471 : vector<16xf32>
          %bitcast_convert_type3A_473 = tpu.bitcast %abs3A_470 : vector<16xf32> -> vector<16xi32>
          %bitcast_convert_type3A_474 = tpu.bitcast %abs3A_472 : vector<16xf32> -> vector<16xi32>
          %add3A_475 = arith.constant 32768 : i32
          %add3A_476 = vector.broadcast %add3A_475 : i32 to vector<16xi32>
          %add3A_477 = arith.addi %bitcast_convert_type3A_473, %add3A_476 : vector<16xi32>
          %shift_right_logical3A_478 = arith.constant 16 : i32
          %shift_right_logical3A_479 = vector.broadcast %shift_right_logical3A_478 : i32 to vector<16xi32>
          %shift_right_logical3A_480 = arith.shrui %add3A_477, %shift_right_logical3A_479 : vector<16xi32>
          %add3A_481 = arith.constant 32768 : i32
          %add3A_482 = vector.broadcast %add3A_481 : i32 to vector<16xi32>
          %add3A_483 = arith.addi %bitcast_convert_type3A_474, %add3A_482 : vector<16xi32>
          %and3A_484 = arith.constant -65536 : i32
          %and3A_485 = vector.broadcast %and3A_484 : i32 to vector<16xi32>
          %and3A_486 = arith.andi %add3A_483, %and3A_485 : vector<16xi32>
          %or3A_487 = arith.ori %shift_right_logical3A_480, %and3A_486 : vector<16xi32>
          %bitcast_convert_type3A_488 = tpu.bitcast %or3A_487 : vector<16xi32> -> vector<16xf32>
          %swap3A_489 = arith.index_cast %scan3A_181 : i32 to index
          %swap3A_490 = arith.constant 64 : index
          %swap3A_491 = tpu.vector_load %arg20[%swap3A_489, %swap3A_490] {strides = array<i32>} : memref<40x128xf32, #tpu.memory_space<vmem>>, vector<1x16xf32>,
          %swap3A_492 = vector.shape_cast %swap3A_491 : vector<1x16xf32> to vector<16xf32>
          %swap3A_493 = vector.shape_cast %bitcast_convert_type3A_488 : vector<16xf32> to vector<1x16xf32>
          tpu.vector_store %arg20[%swap3A_489, %swap3A_490], %swap3A_493 {strides = array<i32>} : memref<40x128xf32, #tpu.memory_space<vmem>>, vector<1x16xf32>,
          %get3A_494 = arith.index_cast %scan3A_181 : i32 to index
          %get3A_495 = arith.constant 16 : index
          %get3A_496 = tpu.vector_load %arg14[%get3A_494, %get3A_495] {strides = array<i32>} : memref<40x128xf32, #tpu.memory_space<vmem>>, vector<1x16xf32>,
          %get3A_497 = vector.shape_cast %get3A_496 : vector<1x16xf32> to vector<16xf32>
          %get3A_498 = arith.index_cast %scan3A_181 : i32 to index
          %get3A_499 = arith.constant 16 : index
          %get3A_500 = tpu.vector_load %arg16[%get3A_498, %get3A_499] {strides = array<i32>} : memref<40x128xf32, #tpu.memory_space<vmem>>, vector<1x16xf32>,
          %get3A_501 = vector.shape_cast %get3A_500 : vector<1x16xf32> to vector<16xf32>
          %get3A_502 = arith.index_cast %scan3A_181 : i32 to index
          %get3A_503 = arith.constant 80 : index
          %get3A_504 = tpu.vector_load %arg14[%get3A_502, %get3A_503] {strides = array<i32>} : memref<40x128xf32, #tpu.memory_space<vmem>>, vector<1x16xf32>,
          %get3A_505 = vector.shape_cast %get3A_504 : vector<1x16xf32> to vector<16xf32>
          %get3A_506 = arith.index_cast %scan3A_181 : i32 to index
          %get3A_507 = arith.constant 80 : index
          %get3A_508 = tpu.vector_load %arg16[%get3A_506, %get3A_507] {strides = array<i32>} : memref<40x128xf32, #tpu.memory_space<vmem>>, vector<1x16xf32>,
          %get3A_509 = vector.shape_cast %get3A_508 : vector<1x16xf32> to vector<16xf32>
          %add3A_510 = arith.addf %get3A_497, %get3A_501 : vector<16xf32>
          %add3A_511 = arith.addf %get3A_505, %get3A_509 : vector<16xf32>
          %bitcast_convert_type3A_512 = tpu.bitcast %add3A_510 : vector<16xf32> -> vector<16xi32>
          %bitcast_convert_type3A_513 = tpu.bitcast %add3A_511 : vector<16xf32> -> vector<16xi32>
          %add3A_514 = arith.constant 32768 : i32
          %add3A_515 = vector.broadcast %add3A_514 : i32 to vector<16xi32>
          %add3A_516 = arith.addi %bitcast_convert_type3A_512, %add3A_515 : vector<16xi32>
          %shift_right_logical3A_517 = arith.constant 16 : i32
          %shift_right_logical3A_518 = vector.broadcast %shift_right_logical3A_517 : i32 to vector<16xi32>
          %shift_right_logical3A_519 = arith.shrui %add3A_516, %shift_right_logical3A_518 : vector<16xi32>
          %add3A_520 = arith.constant 32768 : i32
          %add3A_521 = vector.broadcast %add3A_520 : i32 to vector<16xi32>
          %add3A_522 = arith.addi %bitcast_convert_type3A_513, %add3A_521 : vector<16xi32>
          %and3A_523 = arith.constant -65536 : i32
          %and3A_524 = vector.broadcast %and3A_523 : i32 to vector<16xi32>
          %and3A_525 = arith.andi %add3A_522, %and3A_524 : vector<16xi32>
          %or3A_526 = arith.ori %shift_right_logical3A_519, %and3A_525 : vector<16xi32>
          %bitcast_convert_type3A_527 = tpu.bitcast %or3A_526 : vector<16xi32> -> vector<16xf32>
          %swap3A_528 = arith.index_cast %scan3A_181 : i32 to index
          %swap3A_529 = arith.constant 16 : index
          %swap3A_530 = tpu.vector_load %arg20[%swap3A_528, %swap3A_529] {strides = array<i32>} : memref<40x128xf32, #tpu.memory_space<vmem>>, vector<1x16xf32>,
          %swap3A_531 = vector.shape_cast %swap3A_530 : vector<1x16xf32> to vector<16xf32>
          %swap3A_532 = vector.shape_cast %bitcast_convert_type3A_527 : vector<16xf32> to vector<1x16xf32>
          tpu.vector_store %arg20[%swap3A_528, %swap3A_529], %swap3A_532 {strides = array<i32>} : memref<40x128xf32, #tpu.memory_space<vmem>>, vector<1x16xf32>,
          %sub3A_533 = arith.subf %get3A_497, %get3A_501 : vector<16xf32>
          %abs3A_534 = math.absf %sub3A_533 : vector<16xf32>
          %sub3A_535 = arith.subf %get3A_505, %get3A_509 : vector<16xf32>
          %abs3A_536 = math.absf %sub3A_535 : vector<16xf32>
          %bitcast_convert_type3A_537 = tpu.bitcast %abs3A_534 : vector<16xf32> -> vector<16xi32>
          %bitcast_convert_type3A_538 = tpu.bitcast %abs3A_536 : vector<16xf32> -> vector<16xi32>
          %add3A_539 = arith.constant 32768 : i32
          %add3A_540 = vector.broadcast %add3A_539 : i32 to vector<16xi32>
          %add3A_541 = arith.addi %bitcast_convert_type3A_537, %add3A_540 : vector<16xi32>
          %shift_right_logical3A_542 = arith.constant 16 : i32
          %shift_right_logical3A_543 = vector.broadcast %shift_right_logical3A_542 : i32 to vector<16xi32>
          %shift_right_logical3A_544 = arith.shrui %add3A_541, %shift_right_logical3A_543 : vector<16xi32>
          %add3A_545 = arith.constant 32768 : i32
          %add3A_546 = vector.broadcast %add3A_545 : i32 to vector<16xi32>
          %add3A_547 = arith.addi %bitcast_convert_type3A_538, %add3A_546 : vector<16xi32>
          %and3A_548 = arith.constant -65536 : i32
          %and3A_549 = vector.broadcast %and3A_548 : i32 to vector<16xi32>
          %and3A_550 = arith.andi %add3A_547, %and3A_549 : vector<16xi32>
          %or3A_551 = arith.ori %shift_right_logical3A_544, %and3A_550 : vector<16xi32>
          %bitcast_convert_type3A_552 = tpu.bitcast %or3A_551 : vector<16xi32> -> vector<16xf32>
          %swap3A_553 = arith.index_cast %scan3A_181 : i32 to index
          %swap3A_554 = arith.constant 80 : index
          %swap3A_555 = tpu.vector_load %arg20[%swap3A_553, %swap3A_554] {strides = array<i32>} : memref<40x128xf32, #tpu.memory_space<vmem>>, vector<1x16xf32>,
          %swap3A_556 = vector.shape_cast %swap3A_555 : vector<1x16xf32> to vector<16xf32>
          %swap3A_557 = vector.shape_cast %bitcast_convert_type3A_552 : vector<16xf32> to vector<1x16xf32>
          tpu.vector_store %arg20[%swap3A_553, %swap3A_554], %swap3A_557 {strides = array<i32>} : memref<40x128xf32, #tpu.memory_space<vmem>>, vector<1x16xf32>,
          %get3A_558 = arith.index_cast %scan3A_181 : i32 to index
          %get3A_559 = arith.constant 32 : index
          %get3A_560 = tpu.vector_load %arg14[%get3A_558, %get3A_559] {strides = array<i32>} : memref<40x128xf32, #tpu.memory_space<vmem>>, vector<1x16xf32>,
          %get3A_561 = vector.shape_cast %get3A_560 : vector<1x16xf32> to vector<16xf32>
          %get3A_562 = arith.index_cast %scan3A_181 : i32 to index
          %get3A_563 = arith.constant 32 : index
          %get3A_564 = tpu.vector_load %arg16[%get3A_562, %get3A_563] {strides = array<i32>} : memref<40x128xf32, #tpu.memory_space<vmem>>, vector<1x16xf32>,
          %get3A_565 = vector.shape_cast %get3A_564 : vector<1x16xf32> to vector<16xf32>
          %get3A_566 = arith.index_cast %scan3A_181 : i32 to index
          %get3A_567 = arith.constant 96 : index
          %get3A_568 = tpu.vector_load %arg14[%get3A_566, %get3A_567] {strides = array<i32>} : memref<40x128xf32, #tpu.memory_space<vmem>>, vector<1x16xf32>,
          %get3A_569 = vector.shape_cast %get3A_568 : vector<1x16xf32> to vector<16xf32>
          %get3A_570 = arith.index_cast %scan3A_181 : i32 to index
          %get3A_571 = arith.constant 96 : index
          %get3A_572 = tpu.vector_load %arg16[%get3A_570, %get3A_571] {strides = array<i32>} : memref<40x128xf32, #tpu.memory_space<vmem>>, vector<1x16xf32>,
          %get3A_573 = vector.shape_cast %get3A_572 : vector<1x16xf32> to vector<16xf32>
          %add3A_574 = arith.addf %get3A_561, %get3A_565 : vector<16xf32>
          %add3A_575 = arith.addf %get3A_569, %get3A_573 : vector<16xf32>
          %bitcast_convert_type3A_576 = tpu.bitcast %add3A_574 : vector<16xf32> -> vector<16xi32>
          %bitcast_convert_type3A_577 = tpu.bitcast %add3A_575 : vector<16xf32> -> vector<16xi32>
          %add3A_578 = arith.constant 32768 : i32
          %add3A_579 = vector.broadcast %add3A_578 : i32 to vector<16xi32>
          %add3A_580 = arith.addi %bitcast_convert_type3A_576, %add3A_579 : vector<16xi32>
          %shift_right_logical3A_581 = arith.constant 16 : i32
          %shift_right_logical3A_582 = vector.broadcast %shift_right_logical3A_581 : i32 to vector<16xi32>
          %shift_right_logical3A_583 = arith.shrui %add3A_580, %shift_right_logical3A_582 : vector<16xi32>
          %add3A_584 = arith.constant 32768 : i32
          %add3A_585 = vector.broadcast %add3A_584 : i32 to vector<16xi32>
          %add3A_586 = arith.addi %bitcast_convert_type3A_577, %add3A_585 : vector<16xi32>
          %and3A_587 = arith.constant -65536 : i32
          %and3A_588 = vector.broadcast %and3A_587 : i32 to vector<16xi32>
          %and3A_589 = arith.andi %add3A_586, %and3A_588 : vector<16xi32>
          %or3A_590 = arith.ori %shift_right_logical3A_583, %and3A_589 : vector<16xi32>
          %bitcast_convert_type3A_591 = tpu.bitcast %or3A_590 : vector<16xi32> -> vector<16xf32>
          %swap3A_592 = arith.index_cast %scan3A_181 : i32 to index
          %swap3A_593 = arith.constant 32 : index
          %swap3A_594 = tpu.vector_load %arg20[%swap3A_592, %swap3A_593] {strides = array<i32>} : memref<40x128xf32, #tpu.memory_space<vmem>>, vector<1x16xf32>,
          %swap3A_595 = vector.shape_cast %swap3A_594 : vector<1x16xf32> to vector<16xf32>
          %swap3A_596 = vector.shape_cast %bitcast_convert_type3A_591 : vector<16xf32> to vector<1x16xf32>
          tpu.vector_store %arg20[%swap3A_592, %swap3A_593], %swap3A_596 {strides = array<i32>} : memref<40x128xf32, #tpu.memory_space<vmem>>, vector<1x16xf32>,
          %sub3A_597 = arith.subf %get3A_561, %get3A_565 : vector<16xf32>
          %abs3A_598 = math.absf %sub3A_597 : vector<16xf32>
          %sub3A_599 = arith.subf %get3A_569, %get3A_573 : vector<16xf32>
          %abs3A_600 = math.absf %sub3A_599 : vector<16xf32>
          %bitcast_convert_type3A_601 = tpu.bitcast %abs3A_598 : vector<16xf32> -> vector<16xi32>
          %bitcast_convert_type3A_602 = tpu.bitcast %abs3A_600 : vector<16xf32> -> vector<16xi32>
          %add3A_603 = arith.constant 32768 : i32
          %add3A_604 = vector.broadcast %add3A_603 : i32 to vector<16xi32>
          %add3A_605 = arith.addi %bitcast_convert_type3A_601, %add3A_604 : vector<16xi32>
          %shift_right_logical3A_606 = arith.constant 16 : i32
          %shift_right_logical3A_607 = vector.broadcast %shift_right_logical3A_606 : i32 to vector<16xi32>
          %shift_right_logical3A_608 = arith.shrui %add3A_605, %shift_right_logical3A_607 : vector<16xi32>
          %add3A_609 = arith.constant 32768 : i32
          %add3A_610 = vector.broadcast %add3A_609 : i32 to vector<16xi32>
          %add3A_611 = arith.addi %bitcast_convert_type3A_602, %add3A_610 : vector<16xi32>
          %and3A_612 = arith.constant -65536 : i32
          %and3A_613 = vector.broadcast %and3A_612 : i32 to vector<16xi32>
          %and3A_614 = arith.andi %add3A_611, %and3A_613 : vector<16xi32>
          %or3A_615 = arith.ori %shift_right_logical3A_608, %and3A_614 : vector<16xi32>
          %bitcast_convert_type3A_616 = tpu.bitcast %or3A_615 : vector<16xi32> -> vector<16xf32>
          %swap3A_617 = arith.index_cast %scan3A_181 : i32 to index
          %swap3A_618 = arith.constant 96 : index
          %swap3A_619 = tpu.vector_load %arg20[%swap3A_617, %swap3A_618] {strides = array<i32>} : memref<40x128xf32, #tpu.memory_space<vmem>>, vector<1x16xf32>,
          %swap3A_620 = vector.shape_cast %swap3A_619 : vector<1x16xf32> to vector<16xf32>
          %swap3A_621 = vector.shape_cast %bitcast_convert_type3A_616 : vector<16xf32> to vector<1x16xf32>
          tpu.vector_store %arg20[%swap3A_617, %swap3A_618], %swap3A_621 {strides = array<i32>} : memref<40x128xf32, #tpu.memory_space<vmem>>, vector<1x16xf32>,
          %get3A_622 = arith.index_cast %scan3A_181 : i32 to index
          %get3A_623 = arith.constant 48 : index
          %get3A_624 = tpu.vector_load %arg14[%get3A_622, %get3A_623] {strides = array<i32>} : memref<40x128xf32, #tpu.memory_space<vmem>>, vector<1x16xf32>,
          %get3A_625 = vector.shape_cast %get3A_624 : vector<1x16xf32> to vector<16xf32>
          %get3A_626 = arith.index_cast %scan3A_181 : i32 to index
          %get3A_627 = arith.constant 48 : index
          %get3A_628 = tpu.vector_load %arg16[%get3A_626, %get3A_627] {strides = array<i32>} : memref<40x128xf32, #tpu.memory_space<vmem>>, vector<1x16xf32>,
          %get3A_629 = vector.shape_cast %get3A_628 : vector<1x16xf32> to vector<16xf32>
          %get3A_630 = arith.index_cast %scan3A_181 : i32 to index
          %get3A_631 = arith.constant 112 : index
          %get3A_632 = tpu.vector_load %arg14[%get3A_630, %get3A_631] {strides = array<i32>} : memref<40x128xf32, #tpu.memory_space<vmem>>, vector<1x16xf32>,
          %get3A_633 = vector.shape_cast %get3A_632 : vector<1x16xf32> to vector<16xf32>
          %get3A_634 = arith.index_cast %scan3A_181 : i32 to index
          %get3A_635 = arith.constant 112 : index
          %get3A_636 = tpu.vector_load %arg16[%get3A_634, %get3A_635] {strides = array<i32>} : memref<40x128xf32, #tpu.memory_space<vmem>>, vector<1x16xf32>,
          %get3A_637 = vector.shape_cast %get3A_636 : vector<1x16xf32> to vector<16xf32>
          %add3A_638 = arith.addf %get3A_625, %get3A_629 : vector<16xf32>
          %add3A_639 = arith.addf %get3A_633, %get3A_637 : vector<16xf32>
          %bitcast_convert_type3A_640 = tpu.bitcast %add3A_638 : vector<16xf32> -> vector<16xi32>
          %bitcast_convert_type3A_641 = tpu.bitcast %add3A_639 : vector<16xf32> -> vector<16xi32>
          %add3A_642 = arith.constant 32768 : i32
          %add3A_643 = vector.broadcast %add3A_642 : i32 to vector<16xi32>
          %add3A_644 = arith.addi %bitcast_convert_type3A_640, %add3A_643 : vector<16xi32>
          %shift_right_logical3A_645 = arith.constant 16 : i32
          %shift_right_logical3A_646 = vector.broadcast %shift_right_logical3A_645 : i32 to vector<16xi32>
          %shift_right_logical3A_647 = arith.shrui %add3A_644, %shift_right_logical3A_646 : vector<16xi32>
          %add3A_648 = arith.constant 32768 : i32
          %add3A_649 = vector.broadcast %add3A_648 : i32 to vector<16xi32>
          %add3A_650 = arith.addi %bitcast_convert_type3A_641, %add3A_649 : vector<16xi32>
          %and3A_651 = arith.constant -65536 : i32
          %and3A_652 = vector.broadcast %and3A_651 : i32 to vector<16xi32>
          %and3A_653 = arith.andi %add3A_650, %and3A_652 : vector<16xi32>
          %or3A_654 = arith.ori %shift_right_logical3A_647, %and3A_653 : vector<16xi32>
          %bitcast_convert_type3A_655 = tpu.bitcast %or3A_654 : vector<16xi32> -> vector<16xf32>
          %swap3A_656 = arith.index_cast %scan3A_181 : i32 to index
          %swap3A_657 = arith.constant 48 : index
          %swap3A_658 = tpu.vector_load %arg20[%swap3A_656, %swap3A_657] {strides = array<i32>} : memref<40x128xf32, #tpu.memory_space<vmem>>, vector<1x16xf32>,
          %swap3A_659 = vector.shape_cast %swap3A_658 : vector<1x16xf32> to vector<16xf32>
          %swap3A_660 = vector.shape_cast %bitcast_convert_type3A_655 : vector<16xf32> to vector<1x16xf32>
          tpu.vector_store %arg20[%swap3A_656, %swap3A_657], %swap3A_660 {strides = array<i32>} : memref<40x128xf32, #tpu.memory_space<vmem>>, vector<1x16xf32>,
          %sub3A_661 = arith.subf %get3A_625, %get3A_629 : vector<16xf32>
          %abs3A_662 = math.absf %sub3A_661 : vector<16xf32>
          %sub3A_663 = arith.subf %get3A_633, %get3A_637 : vector<16xf32>
          %abs3A_664 = math.absf %sub3A_663 : vector<16xf32>
          %bitcast_convert_type3A_665 = tpu.bitcast %abs3A_662 : vector<16xf32> -> vector<16xi32>
          %bitcast_convert_type3A_666 = tpu.bitcast %abs3A_664 : vector<16xf32> -> vector<16xi32>
          %add3A_667 = arith.constant 32768 : i32
          %add3A_668 = vector.broadcast %add3A_667 : i32 to vector<16xi32>
          %add3A_669 = arith.addi %bitcast_convert_type3A_665, %add3A_668 : vector<16xi32>
          %shift_right_logical3A_670 = arith.constant 16 : i32
          %shift_right_logical3A_671 = vector.broadcast %shift_right_logical3A_670 : i32 to vector<16xi32>
          %shift_right_logical3A_672 = arith.shrui %add3A_669, %shift_right_logical3A_671 : vector<16xi32>
          %add3A_673 = arith.constant 32768 : i32
          %add3A_674 = vector.broadcast %add3A_673 : i32 to vector<16xi32>
          %add3A_675 = arith.addi %bitcast_convert_type3A_666, %add3A_674 : vector<16xi32>
          %and3A_676 = arith.constant -65536 : i32
          %and3A_677 = vector.broadcast %and3A_676 : i32 to vector<16xi32>
          %and3A_678 = arith.andi %add3A_675, %and3A_677 : vector<16xi32>
          %or3A_679 = arith.ori %shift_right_logical3A_672, %and3A_678 : vector<16xi32>
          %bitcast_convert_type3A_680 = tpu.bitcast %or3A_679 : vector<16xi32> -> vector<16xf32>
          %swap3A_681 = arith.index_cast %scan3A_181 : i32 to index
          %swap3A_682 = arith.constant 112 : index
          %swap3A_683 = tpu.vector_load %arg20[%swap3A_681, %swap3A_682] {strides = array<i32>} : memref<40x128xf32, #tpu.memory_space<vmem>>, vector<1x16xf32>,
          %swap3A_684 = vector.shape_cast %swap3A_683 : vector<1x16xf32> to vector<16xf32>
          %swap3A_685 = vector.shape_cast %bitcast_convert_type3A_680 : vector<16xf32> to vector<1x16xf32>
          tpu.vector_store %arg20[%swap3A_681, %swap3A_682], %swap3A_685 {strides = array<i32>} : memref<40x128xf32, #tpu.memory_space<vmem>>, vector<1x16xf32>,
        }
        %scan3A_162 = arith.constant 40 : i32
        %add3A_163 = arith.constant 1 : i32
        %add3A_164 = arith.addi %mul3A_60, %add3A_163 : i32
        %mul3A_165 = arith.constant 40 : i32
        %mul3A_166 = arith.muli %add3A_164, %mul3A_165 : i32
        %add3A_167 = arith.addi %mul3A_2, %mul3A_166 : i32
        %multiple_of3A_168 = tpu.assume_multiple %add3A_167, 8 : i32
        %add3A_169 = arith.constant 0 : i32
        %add3A_170 = arith.addi %add3A_169, %multiple_of3A_168 : i32
        %dma_start3A_171 = arith.constant 0 : i32
        %dma_start3A_172 = tpu.memref_slice %arg4[%add3A_170, %dma_start3A_171] : memref<320000x128xf32, #tpu.memory_space<hbm>> -> memref<40x128xf32, #tpu.memory_space<hbm>>
        %dma_start3A_173 = arith.constant 0 : i32
        %dma_start3A_174 = tpu.memref_slice %arg4[%add3A_170, %dma_start3A_173] : memref<320000x128xf32, #tpu.memory_space<hbm>> -> memref<40x128xf32, #tpu.memory_space<hbm>>
        tpu.enqueue_dma source(%arg19 : memref<40x128xf32, #tpu.memory_space<vmem>>) target(%dma_start3A_174 : memref<40x128xf32, #tpu.memory_space<hbm>>) target_semaphore(%arg24 : memref<!tpu.dma_semaphore, #tpu.memory_space<semaphore_mem>>)
        %add3A_175 = arith.constant 160000 : i32
        %add3A_176 = arith.addi %add3A_175, %multiple_of3A_168 : i32
        %dma_start3A_177 = arith.constant 0 : i32
        %dma_start3A_178 = tpu.memref_slice %arg4[%add3A_176, %dma_start3A_177] : memref<320000x128xf32, #tpu.memory_space<hbm>> -> memref<40x128xf32, #tpu.memory_space<hbm>>
        %dma_start3A_179 = arith.constant 0 : i32
        %dma_start3A_180 = tpu.memref_slice %arg4[%add3A_176, %dma_start3A_179] : memref<320000x128xf32, #tpu.memory_space<hbm>> -> memref<40x128xf32, #tpu.memory_space<hbm>>
        tpu.enqueue_dma source(%arg20 : memref<40x128xf32, #tpu.memory_space<vmem>>) target(%dma_start3A_180 : memref<40x128xf32, #tpu.memory_space<hbm>>) target_semaphore(%arg24 : memref<!tpu.dma_semaphore, #tpu.memory_space<semaphore_mem>>)
      } else {
      }
    }
    %scan3A_34 = arith.constant 63 : i32
    %dma_wait3A = arith.constant 0 : i32
    %dma_wait3A_35 = arith.constant 0 : i32
    %dma_wait3A_36 = tpu.memref_slice %arg2[%dma_wait3A, %dma_wait3A_35] : memref<160000x128xf32, #tpu.memory_space<hbm>> -> memref<40x128xf32, #tpu.memory_space<hbm>>
    %dma_wait3A_37 = arith.constant 0 : i32
    %dma_wait3A_38 = arith.constant 0 : i32
    %dma_wait3A_39 = tpu.memref_slice %arg2[%dma_wait3A_37, %dma_wait3A_38] : memref<160000x128xf32, #tpu.memory_space<hbm>> -> memref<40x128xf32, #tpu.memory_space<hbm>>
    tpu.wait_dma2 semaphore(%arg23 : memref<!tpu.dma_semaphore, #tpu.memory_space<semaphore_mem>>) src(%dma_wait3A_39 : memref<40x128xf32, #tpu.memory_space<hbm>>) dst(%arg17 : memref<40x128xf32, #tpu.memory_space<vmem>>)
    %dma_wait3A_40 = arith.constant 0 : i32
    %dma_wait3A_41 = arith.constant 0 : i32
    %dma_wait3A_42 = tpu.memref_slice %arg2[%dma_wait3A_40, %dma_wait3A_41] : memref<160000x128xf32, #tpu.memory_space<hbm>> -> memref<40x128xf32, #tpu.memory_space<hbm>>
    %dma_wait3A_43 = arith.constant 0 : i32
    %dma_wait3A_44 = arith.constant 0 : i32
    %dma_wait3A_45 = tpu.memref_slice %arg2[%dma_wait3A_43, %dma_wait3A_44] : memref<160000x128xf32, #tpu.memory_space<hbm>> -> memref<40x128xf32, #tpu.memory_space<hbm>>
    tpu.wait_dma2 semaphore(%arg23 : memref<!tpu.dma_semaphore, #tpu.memory_space<semaphore_mem>>) src(%dma_wait3A_45 : memref<40x128xf32, #tpu.memory_space<hbm>>) dst(%arg18 : memref<40x128xf32, #tpu.memory_space<vmem>>)
    %dma_wait3A_46 = arith.constant 0 : i32
    %dma_wait3A_47 = arith.constant 0 : i32
    %dma_wait3A_48 = tpu.memref_slice %arg2[%dma_wait3A_46, %dma_wait3A_47] : memref<160000x128xf32, #tpu.memory_space<hbm>> -> memref<40x128xf32, #tpu.memory_space<hbm>>
    %dma_wait3A_49 = arith.constant 0 : i32
    %dma_wait3A_50 = arith.constant 0 : i32
    %dma_wait3A_51 = tpu.memref_slice %arg2[%dma_wait3A_49, %dma_wait3A_50] : memref<160000x128xf32, #tpu.memory_space<hbm>> -> memref<40x128xf32, #tpu.memory_space<hbm>>
    tpu.wait_dma2 semaphore(%arg24 : memref<!tpu.dma_semaphore, #tpu.memory_space<semaphore_mem>>) src(%dma_wait3A_51 : memref<40x128xf32, #tpu.memory_space<hbm>>) dst(%arg19 : memref<40x128xf32, #tpu.memory_space<vmem>>)
    %dma_wait3A_52 = arith.constant 0 : i32
    %dma_wait3A_53 = arith.constant 0 : i32
    %dma_wait3A_54 = tpu.memref_slice %arg2[%dma_wait3A_52, %dma_wait3A_53] : memref<160000x128xf32, #tpu.memory_space<hbm>> -> memref<40x128xf32, #tpu.memory_space<hbm>>
    %dma_wait3A_55 = arith.constant 0 : i32
    %dma_wait3A_56 = arith.constant 0 : i32
    %dma_wait3A_57 = tpu.memref_slice %arg2[%dma_wait3A_55, %dma_wait3A_56] : memref<160000x128xf32, #tpu.memory_space<hbm>> -> memref<40x128xf32, #tpu.memory_space<hbm>>
    tpu.wait_dma2 semaphore(%arg24 : memref<!tpu.dma_semaphore, #tpu.memory_space<semaphore_mem>>) src(%dma_wait3A_57 : memref<40x128xf32, #tpu.memory_space<hbm>>) dst(%arg20 : memref<40x128xf32, #tpu.memory_space<vmem>>)
    return
  }
}

module attributes {stable_mosaic.version = 14 : i64} {
  func.func @body(%arg0: i32, %arg1: memref<1280x128xf32, #tpu.memory_space<vmem>>, %arg2: memref<2x1280x128xf32, #tpu.memory_space<vmem>>, %arg3: memref<640x32xf32, #tpu.memory_space<vmem>>, %arg4: memref<32x1xf32, #tpu.memory_space<vmem>>, %arg5: memref<32x1280xf32, #tpu.memory_space<vmem>>) attributes {dimension_semantics = [#tpu.dimension_semantics<arbitrary>], iteration_bounds = array<i64: 125>, scalar_prefetch = 0 : i64, scratch_operands = 0 : i64, tpu.core_type = #tpu.core_type<tc>, window_params = [{transform_indices = @transform_0, window_bounds = array<i64: 1280, 128>}, {transform_indices = @transform_1, window_bounds = array<i64: 2, 1280, 128>}, {pipeline_mode = #tpu.pipeline_mode<synchronous>, transform_indices = @transform_2, window_bounds = array<i64: 640, 32>}, {pipeline_mode = #tpu.pipeline_mode<synchronous>, transform_indices = @transform_3, window_bounds = array<i64: 32, 1>}, {transform_indices = @transform_4, window_bounds = array<i64: 32, 1280>}]} {
    %get3A = arith.constant 0 : index
    %get3A_0 = arith.constant 0 : index
    %get3A_1 = vector.load %arg1[%get3A, %get3A_0] : memref<1280x128xf32, #tpu.memory_space<vmem>>, vector<1280x128xf32>
    %get3A_2 = arith.constant 0 : index
    %get3A_3 = arith.constant 0 : index
    %get3A_4 = arith.constant 0 : index
    %get3A_5 = vector.load %arg2[%get3A_2, %get3A_3, %get3A_4] : memref<2x1280x128xf32, #tpu.memory_space<vmem>>, vector<1x1280x128xf32>
    %get3A_6 = vector.shape_cast %get3A_5 : vector<1x1280x128xf32> to vector<1280x128xf32>
    %bitcast_convert_type3A = tpu.bitcast %get3A_6 : vector<1280x128xf32> -> vector<1280x128xi32>
    %shift_left3A = arith.constant 16 : i32
    %shift_left3A_7 = vector.broadcast %shift_left3A : i32 to vector<1280x128xi32>
    %shift_left3A_8 = arith.shli %bitcast_convert_type3A, %shift_left3A_7 : vector<1280x128xi32>
    %bitcast_convert_type3A_9 = tpu.bitcast %shift_left3A_8 : vector<1280x128xi32> -> vector<1280x128xf32>
    %and3A = arith.constant -65536 : i32
    %and3A_10 = vector.broadcast %and3A : i32 to vector<1280x128xi32>
    %and3A_11 = arith.andi %bitcast_convert_type3A, %and3A_10 : vector<1280x128xi32>
    %bitcast_convert_type3A_12 = tpu.bitcast %and3A_11 : vector<1280x128xi32> -> vector<1280x128xf32>
    %get3A_13 = arith.constant 1 : index
    %get3A_14 = arith.constant 0 : index
    %get3A_15 = arith.constant 0 : index
    %get3A_16 = vector.load %arg2[%get3A_13, %get3A_14, %get3A_15] : memref<2x1280x128xf32, #tpu.memory_space<vmem>>, vector<1x1280x128xf32>
    %get3A_17 = vector.shape_cast %get3A_16 : vector<1x1280x128xf32> to vector<1280x128xf32>
    %bitcast_convert_type3A_18 = tpu.bitcast %get3A_17 : vector<1280x128xf32> -> vector<1280x128xi32>
    %shift_left3A_19 = arith.constant 16 : i32
    %shift_left3A_20 = vector.broadcast %shift_left3A_19 : i32 to vector<1280x128xi32>
    %shift_left3A_21 = arith.shli %bitcast_convert_type3A_18, %shift_left3A_20 : vector<1280x128xi32>
    %bitcast_convert_type3A_22 = tpu.bitcast %shift_left3A_21 : vector<1280x128xi32> -> vector<1280x128xf32>
    %and3A_23 = arith.constant -65536 : i32
    %and3A_24 = vector.broadcast %and3A_23 : i32 to vector<1280x128xi32>
    %and3A_25 = arith.andi %bitcast_convert_type3A_18, %and3A_24 : vector<1280x128xi32>
    %bitcast_convert_type3A_26 = tpu.bitcast %and3A_25 : vector<1280x128xi32> -> vector<1280x128xf32>
    %concatenate3A = tpu.concatenate %get3A_1, %bitcast_convert_type3A_9, %bitcast_convert_type3A_12, %bitcast_convert_type3A_22, %bitcast_convert_type3A_26 in 1 : vector<1280x128xf32>, vector<1280x128xf32>, vector<1280x128xf32>, vector<1280x128xf32>, vector<1280x128xf32> -> vector<1280x640xf32>
    %get3A_27 = arith.constant 0 : index
    %get3A_28 = arith.constant 0 : index
    %get3A_29 = vector.load %arg3[%get3A_27, %get3A_28] : memref<640x32xf32, #tpu.memory_space<vmem>>, vector<640x32xf32>
    %dot_general3A = arith.constant dense<0.000000e+00> : vector<32x1280xf32>
    %dot_general3A_30 = tpu.matmul %get3A_29, %concatenate3A, %dot_general3A {dimension_numbers = #tpu.dot_dimension_numbers<[0], [1], [1], [0], [0, 1, 1, 0], [], []>, transpose_lhs_hint = false} : vector<640x32xf32>, vector<1280x640xf32>, vector<32x1280xf32> -> vector<32x1280xf32>
    %get3A_31 = arith.constant 0 : index
    %get3A_32 = arith.constant 0 : index
    %get3A_33 = vector.load %arg4[%get3A_31, %get3A_32] : memref<32x1xf32, #tpu.memory_space<vmem>>, vector<32x1xf32>
    %add3A = vector.broadcast %get3A_33 : vector<32x1xf32> to vector<32x1280xf32>
    %add3A_34 = arith.addf %dot_general3A_30, %add3A : vector<32x1280xf32>
    %swap3A = arith.constant 0 : index
    %swap3A_35 = arith.constant 0 : index
    %swap3A_36 = vector.load %arg5[%swap3A, %swap3A_35] : memref<32x1280xf32, #tpu.memory_space<vmem>>, vector<32x1280xf32>
    tpu.vector_store %arg5[%swap3A, %swap3A_35], %add3A_34 {strides = array<i32>} : memref<32x1280xf32, #tpu.memory_space<vmem>>, vector<32x1280xf32>,
    return
  }
  func.func @transform_0(%arg0: i32) -> (i32, i32) {
    %c0_i32 = arith.constant 0 : i32
    %c0_i32_0 = arith.constant 0 : i32
    return %arg0, %c0_i32 : i32, i32
  }
  func.func @transform_1(%arg0: i32) -> (i32, i32, i32) {
    %c0_i32 = arith.constant 0 : i32
    %c0_i32_0 = arith.constant 0 : i32
    %c0_i32_1 = arith.constant 0 : i32
    return %c0_i32, %arg0, %c0_i32_0 : i32, i32, i32
  }
  func.func @transform_2(%arg0: i32) -> (i32, i32) {
    %c0_i32 = arith.constant 0 : i32
    %c0_i32_0 = arith.constant 0 : i32
    %c0_i32_1 = arith.constant 0 : i32
    return %c0_i32, %c0_i32_0 : i32, i32
  }
  func.func @transform_3(%arg0: i32) -> (i32, i32) {
    %c0_i32 = arith.constant 0 : i32
    %c0_i32_0 = arith.constant 0 : i32
    %c0_i32_1 = arith.constant 0 : i32
    return %c0_i32, %c0_i32_0 : i32, i32
  }
  func.func @transform_4(%arg0: i32) -> (i32, i32) {
    %c0_i32 = arith.constant 0 : i32
    %c0_i32_0 = arith.constant 0 : i32
    return %c0_i32, %arg0 : i32, i32
  }
}

</mosaic_0001>

<sc_bundles>
// kernel: kernel.4.cloned.1.call-start
scs
__scs_entry_jumppad:
0x0: {  	(pc) =	sbr.rel $0x88, $3  }
0x1: {  	(tag) =	ssettag $0x0;
	lr =	simm.s32 $0x1  }
0x2: {  	[smem:$0x3F9D] =	sst lr;
	_ =	strace $0xD0000000  }
0x3: {  	_ = 	snop  }
0x4: {  	_ = 	snop  }
0x5: {  	_ = 	snop  }
0x6: {  	_ = 	snop  }
0x7: {  	_ = 	snop  }
__scs_overlays_trampoline_lowered:
0x8: {  	[smem:$0x3FAC] =	sst s0  }
0x9: {  	[smem:$0x3FAD] =	sst s1  }
0xa: {  	[smem:$0x3FAE] =	sst s2  }
0xb: {  	[smem:$0x3FAF] =	sst s3  }
0xc: {  	[smem:$0x3FB0] =	sst s4  }
0xd: {  	[smem:$0x3FB1] =	sst s5  }
0xe: {  	[smem:$0x3FB2] =	sst s6  }
0xf: {  	[smem:$0x3FB3] =	sst s7  }
0x10: {  	[smem:$0x3FB4] =	sst s8  }
0x11: {  	[smem:$0x3FB5] =	sst s9;
	s0 =	simm.s32 @!p0 $0x0  }
0x12: {  	s1 =	sld [smem:$0x3F9B];
	s0 =	simm.s32 @p0 $0x1  }
0x13: {  	[smem:$0x3FB6] =	sst s0;
	s0 =	simm.s32 @!p1 $0x0  }
0x14: {  	s2 =	sld [smem:$0x3F9A];
	s0 =	simm.s32 @p1 $0x1  }
0x15: {  	[smem:$0x3FB7] =	sst s0;
	s0 =	simm.s32 @!p2 $0x0  }
0x16: {  	s3 =	sld [smem:$0x3FDB];
	s0 =	simm.s32 @p2 $0x1  }
0x17: {  	s4 =	simm.s32 $0x1BF5;
	[smem:$0x3FB9] =	sst s0  }
0x18: {  	s0 =	sld [smem:$0x3F9C];
	_ =	swait.ge [sflag:s4], $0x0  }
0x19: {  	s7 =	sld [smem:$0x3F9D]  }
0x1a: {  	s8 =	sadd.s32 $0xFFFFE003, lr  }
0x1b: {  	s9 =	sadd.s32 $0xFFFFFEF7, lr;
	s5 =	simm.s32 $0xFFFFFFFF;
	p2 =	slt.u32 s8, $0xFFFFF086  }
0x1c: {  	p1 =	slt.u32 s9, $0xF7A;
	s5 =	simm.s32 @!p2 $0x0  }
0x1d: {  	s5 =	simm.s32 @p1 $0x1;
	p0 =	seq.s32 s7, s2  }
0x1e: {  	s7 =	smul.u32 @!p0 $0xF7A, s2;
	p2 =	seq.s32 @!p0 s5, $0x0  }
0x1f: {  	s9 =	smul.u32 $0xF7A, s1;
	s8 =	simm.s32 @!p0 $0x1BF5;
	p2 =	por !p2, p0  }
0x20: {  	[sflag:s8] =	ssyncset.s32 @!p0 $0xFFFFF086;
	s6 =	sadd.s32 @!p0 s3, s7;
	s7 =	simm.s32 @!p0 $0x108  }
0x21: {  	s3 =	sadd.s32 s3, s9;
	s6 =	sadd.s32 @!p0 $0x88, s6;
	s7 =	simm.s32 @p2 $0x1082  }
0x22: {  	[simem:s7], [sflag:s8] =	dma.local @!p0 [hbm:s6], $0xF7A  }
0x23: {  	s9 =	sor.u32 $0xD0000000, s2;
	s6 =	simm.s32 $0x108;
	_ =	swait.ge @!p0 [sflag:s8], $0x0  }
0x24: {  	s3 =	sadd.s32 $0x88, s3;
	s6 =	simm.s32 @!p1 $0x1082;
	[sflag:s4] =	ssyncset.s32 $0xFFFFF086  }
0x25: {  	[simem:s6], [sflag:s4] =	dma.local [hbm:s3], $0xF7A  }
0x26: {  	[smem:$0x3F9D] =	sst s1;
	(tag) =	ssettag s2;
	_ =	strace s9  }
0x27: {  	s1 =	sld [smem:$0x3FAD]  }
0x28: {  	s2 =	sld [smem:$0x3FAE]  }
0x29: {  	s4 =	sld [smem:$0x3FB0]  }
0x2a: {  	p0 =	seq.s32 s5, $0x0;
	s5 =	sld [smem:$0x3FB1]  }
0x2b: {  	s6 =	sld [smem:$0x3FB2]  }
0x2c: {  	s7 =	sld [smem:$0x3FB3]  }
0x2d: {  	s3 =	simm.s32 $0x108;
	s8 =	sld [smem:$0x3FB4]  }
0x2e: {  	s3 =	simm.s32 @!p0 $0x1082;
	s9 =	sld [smem:$0x3FB5]  }
0x2f: {  	lr =	sadd.s32 s0, s3;
	s0 =	sld [smem:$0x3FAC]  }
0x30: {  	s3 =	sld [smem:$0x3FAF]  }
0x31: {  	[smem:$0x3FB8] =	sst s10  }
0x32: {  	s10 =	sld [smem:$0x3FB6];
	_ =	sdelay $0x3  }
0x33: {  	p0 =	seq.s32 s10, $0x1;
	s10 =	sld [smem:$0x3FB8];
	_ =	sdelay $0x3  }
0x34: {  	[smem:$0x3FB8] =	sst s10  }
0x35: {  	s10 =	sld [smem:$0x3FB7];
	_ =	sdelay $0x3  }
0x36: {  	p1 =	seq.s32 s10, $0x1;
	s10 =	sld [smem:$0x3FB8];
	_ =	sdelay $0x3  }
0x37: {  	[smem:$0x3FB8] =	sst s10  }
0x38: {  	s10 =	sld [smem:$0x3FB9]  }
0x39: {  	_ = 	snop;
	(pc) =	sbr.ind lr, $3  }
0x3a: {  	_ = 	snop  }
0x3b: {  	_ = 	snop  }
0x3c: {  	p2 =	seq.s32 s10, $0x1;
	s10 =	sld [smem:$0x3FB8]  }
0x3d: {  	_ =	shalt  }
0x3e: {  	_ =	shalt  }
0x3f: {  	_ =	shalt  }
0x40: {  	_ =	shalt  }
0x41: {  	_ =	shalt  }
0x42: {  	_ =	shalt  }
0x43: {  	_ =	shalt  }
0x44: {  	_ =	shalt  }
0x45: {  	_ =	shalt  }
0x46: {  	_ =	shalt  }
0x47: {  	_ =	shalt  }
0x48: {  	_ =	shalt  }
0x49: {  	_ =	shalt  }
0x4a: {  	_ =	shalt  }
0x4b: {  	_ =	shalt  }
0x4c: {  	_ =	shalt  }
0x4d: {  	_ =	shalt  }
0x4e: {  	_ =	shalt  }
0x4f: {  	_ =	shalt  }
0x50: {  	_ =	shalt  }
0x51: {  	_ =	shalt  }
0x52: {  	_ =	shalt  }
0x53: {  	_ =	shalt  }
0x54: {  	_ =	shalt  }
0x55: {  	_ =	shalt  }
0x56: {  	_ =	shalt  }
0x57: {  	_ =	shalt  }
0x58: {  	_ =	shalt  }
0x59: {  	_ =	shalt  }
0x5a: {  	_ =	shalt  }
0x5b: {  	_ =	shalt  }
0x5c: {  	_ =	shalt  }
0x5d: {  	_ =	shalt  }
0x5e: {  	_ =	shalt  }
0x5f: {  	_ =	shalt  }
0x60: {  	_ =	shalt  }
0x61: {  	_ =	shalt  }
0x62: {  	_ =	shalt  }
0x63: {  	_ =	shalt  }
0x64: {  	_ =	shalt  }
0x65: {  	_ =	shalt  }
0x66: {  	_ =	shalt  }
0x67: {  	_ =	shalt  }
0x68: {  	_ =	shalt  }
0x69: {  	_ =	shalt  }
0x6a: {  	_ =	shalt  }
0x6b: {  	_ =	shalt  }
0x6c: {  	_ =	shalt  }
0x6d: {  	_ =	shalt  }
0x6e: {  	_ =	shalt  }
0x6f: {  	_ =	shalt  }
0x70: {  	_ =	shalt  }
0x71: {  	_ =	shalt  }
0x72: {  	_ =	shalt  }
0x73: {  	_ =	shalt  }
0x74: {  	_ =	shalt  }
0x75: {  	_ =	shalt  }
0x76: {  	_ =	shalt  }
0x77: {  	_ =	shalt  }
0x78: {  	_ =	shalt  }
0x79: {  	_ =	shalt  }
0x7a: {  	_ =	shalt  }
0x7b: {  	_ =	shalt  }
0x7c: {  	_ =	shalt  }
0x7d: {  	_ =	shalt  }
0x7e: {  	_ =	shalt  }
0x7f: {  	_ =	shalt  }
0x80: {  	_ =	shalt  }
0x81: {  	_ =	shalt  }
0x82: {  	_ =	shalt  }
0x83: {  	_ =	shalt  }
0x84: {  	_ =	shalt  }
0x85: {  	_ =	shalt  }
0x86: {  	_ =	shalt  }
0x87: {  	_ =	shalt  }
.Lfunc_end0:
.L_simem_size_0:
called_computation_lowered:
.L_overlay_start_0:
0x88: {  	s2 =	sld [smem:$0x3FD9]  }
0x89: {  	s3 =	sld [smem:$0x3FFE];
	_ =	sdelay $0x1  }
0x8a: {  	s1 =	srdreg.scid  }
0x8b: {  	s0 =	sand.u32 $0x1, s1  }
0x8c: {  	s17 =	sshll.u32 s0, $0xA;
	s2 =	sadd.s32 s3, s2  }
0x8d: {  	s2 =	sadd.s32 s2, s17  }
0x8e: {  	[smem:$0x3FC4] =	sst s2  }
0x8f: {  	_ = 	snop  }
0x90: {  	s2 =	sld [smem:$0x3FD0];
	(tm) =	ssettm $0x1  }
0x91: {  	s18 =	sld [smem:$0x3FFB];
	_ =	sdelay $0x3  }
0x92: {  	_ =	strace s18  }
0x93: {  	s3 =	sld [smem:$0x3FFC];
	_ =	sdelay $0x3  }
0x94: {  	_ =	strace s3  }
0x95: {  	s3 =	sld [smem:$0x3FFD];
	_ =	sdelay $0x3  }
0x96: {  	_ =	strace s3  }
0x97: {  	_ =	strace $0x8FFFFFFF  }
0x98: {  	s19 =	sld [smem:$0x3FDB];
	_ =	sdelay $0x1  }
0x99: {  	s4 =	simm.s32 $_scs_section_size  }
0x9a: {  	s5 =	simm.s32 $_size__tile_overlayer_lowered;
	s6 =	simm.s32 $_tile_overlayer_lowered  }
0x9b: {  	s22 =	simm.s32 $0x1BFF;
	s21 =	sshll.u32 s6, $0x1;
	s3 =	sadd.s32 s4, s19  }
0x9c: {  	s7 =	simm.s32 $0x0;
	s20 =	sshll.u32 s5, $0x1;
	s5 =	sadd.s32 s21, s3  }
0x9d: {  	[timem:s7], [sflag:s22] =	dma.local [hbm:s5], s20  }
0x9e: {  	_ =	swait.ge [sflag:s22], s20  }
0x9f: {  	s4 =	ssub.s32 $0x0, s20;
	[sflag:s22] =	ssyncset.done $0x0  }
0xa0: {  	[sflag:s22] =	ssyncadd.s32 s4;
	_ =	sdelay $0x1  }
0xa1: {  	s23 =	simm.s32 $0x1B8B  }
0xa2: {  	_ =	swait.ge [sflag:s23], $0x1  }
0xa3: {  	[sflag:s23] =	ssyncset.done $0x0  }
0xa4: {  	s25 =	simm.s32 $0x1B8E;
	s24 =	sld [smem:$0x3FFE];
	[sflag:s23] =	ssyncadd.s32 $0xFFFFFFFF  }
0xa5: {  	s26 =	simm.s32 $execute0_lowered;
	[smem:$0x3FD2] =	sst s25  }
0xa6: {  	s5 =	sshll.u32 s26, $0x1;
	_ =	strace $0x80000046;
	[dreg:$0x1] =	wrdreg $0xFFFFFFFF  }
0xa7: {  	s28 =	simm.s32 $_size_execute0_lowered;
	s3 =	sadd.s32 s3, s5;
	[dreg:$0x0] =	wrdreg $0x0  }
0xa8: {  	s5 =	sshll.u32 s28, $0x1;
	[dreg:$0x2] =	wrdreg s3  }
0xa9: {  	[dreg:$0x3] =	wrdreg s5  }
0xaa: {  	[dreg:$0x4] =	wrdreg $0xC0  }
0xab: {  	_ =	task [dreg:s7], $0x5FFFF  }
0xac: {  	[dreg:$0x1] =	wrdreg $0xFFFFFFFF  }
0xad: {  	[dreg:$0x0] =	wrdreg $0x60  }
0xae: {  	[dreg:$0x2] =	wrdreg s24  }
0xaf: {  	[dreg:$0x3] =	wrdreg s2  }
0xb0: {  	[dreg:$0x4] =	wrdreg $0x9  }
0xb1: {  	_ =	task.clear_ibuf [dreg:s7], $0x5FFFF;
	_ =	strace $0x90000046  }
0xb2: {  	s29 =	simm.s32 $0x9;
	_ =	strace $0x80000048  }
0xb3: {  	_ =	swait.ge [sflag:s29], $0x1  }
0xb4: {  	[sflag:s29] =	ssyncadd.s32 $0xFFFFFFFF  }
0xb5: {  	_ =	strace $0x90000048  }
0xb6: {  	_ =	sfence  }
0xb7: {  	s30 =	sld [smem:$0x0];
	_ =	sdelay $0x2  }
0xb8: {  	s31 =	sshll.u32 s1, $0xD;
	s1 =	sshrl.u32 s1, $0x2  }
0xb9: {  	s3 =	sand.u32 $0x4000, s31;
	s1 =	sadd.s32 s1, s30  }
0xba: {  	s0 =	sor.u32 s3, s0;
	s1 =	sshll.u32 s1, $0x11  }
0xbb: {  	s0 =	sor.u32 s1, s0  }
0xbc: {  	s0 =	sadd.s32 $0x8F2B, s0  }
0xbd: {  	[sflag:s0] =	ssyncadd.remote.s32 $0x1  }
0xbe: {  	_ =	sfence.sel $0xFFFF  }
0xbf: {  	[dreg:$0x0] =	wrdreg $0xFFFFFFFF;
	(pc) =	sbr.abs _section_cstart, $3  }
0xc0: {  	[dreg:$0x1] =	wrdreg $0xFFFFFFFF  }
0xc1: {  	_ =	task.clear_ibuf [dreg:s7], $0x2FFFF;
	_ =	strace $0x9FFFFFFF  }
0xc2: {  	(tm) =	ssettm $0x7FFFFFFF  }
0xc3: {  	_ =	shalt  }
tec
execute0_lowered:
.L_overlay_start_1:
0x0: {  	(tag) =	ssettag $0x1  }
0x1: {  	s0 =	rddreg [dreg:$0x0]  }
0x2: {  	s1 =	srdreg.scid;
	s2 =	stileid.u32  }
0x3: {  	s6 =	rddreg [dreg:$0x1];
	s12 =	simm.s32 $0x5;
	s16 =	simm.s32 $0x28  }
0x4: {  	s17 =	simm.s32 $0x5000;
	s18 =	simm.s32 $0x6400;
	s19 =	simm.s32 $0x7800  }
0x5: {  	s20 =	simm.s32 $0x8C00;
	s21 =	simm.s32 $0x1;
	s22 =	simm.s32 $0xF000  }
0x6: {  	s23 =	simm.s32 $0x10400;
	s24 =	simm.s32 $0x2;
	s25 =	simm.s32 $0x11800  }
0x7: {  	s26 =	simm.s32 $0x12C00;
	s1 =	sand.u32 $0x1, s1;
	s3 =	sshll.u32 s2, $0x1  }
0x8: {  	s28 =	simm.s32 $0x3;
	s29 =	simm.s32 $0x4;
	s3 =	sor.u32 s1, s3  }
0x9: {  	s30 =	simm.s32 $0x0;
	s2 =	simm.s32 $0x0;
	s3 =	smul.u32 $0x1388, s3  }
.Ltmp0:
0xa: {  	s4 =	sadd.s32 $0xC00, s0;
	s1 =	ssub.s32 $0x2, s1;
	(pc) =	sbr.rel .LBB2_1-.Ltmp0, $4  }
0xb: {  	s5 =	sadd.s32 $0x271C00, s0;
	s10 =	sadd.s32 $0x4E2C00, s0;
	s8 =	sshrl.u32 s1, $0x1  }
0xc: {  	[smem:$0x7FF] =	sst s2;
	s1 =	ssub.s32 s1, s8;
	s7 =	sshrl.u32 s3, $0x3  }
0xd: {  	_ =	strace $0x80000047;
	s11 =	smax.u32 s1, $0x1;
	s6 =	sadd.s32 s6, s7  }
0xe: {  	s7 =	sadd.s32 $0x4E20, s6;
	s8 =	sadd.s32 $0x9C40, s6;
	s9 =	sadd.s32 $0xEA60, s6  }
.LBB2_9:
0xf: {  	_ =	swait.ge [sflag:s28], $0x1400  }
0x10: {  	[sflag:s28] =	ssyncset.done $0x0  }
0x11: {  	[sflag:s28] =	ssyncadd.s32 $0xFFFFEC00  }
0x12: {  	_ =	swait.ge [sflag:s28], $0x1400  }
0x13: {  	[sflag:s28] =	ssyncset.done $0x0  }
0x14: {  	s30 =	sadd.s32 $0x1, s30;
	[sflag:s28] =	ssyncadd.s32 $0xFFFFEC00  }
0x15: {  	p0 =	sne.s32 s30, s11;
	_ =	swait.ge [sflag:s29], $0x1400  }
.Ltmp1:
0x16: {  	[sflag:s29] =	ssyncset.done $0x0;
	(pc) =	sbr.rel @!p0 .LBB2_10-.Ltmp1, $4  }
0x17: {  	[sflag:s29] =	ssyncadd.s32 $0xFFFFEC00  }
0x18: {  	_ =	swait.ge [sflag:s29], $0x1400  }
0x19: {  	[sflag:s29] =	ssyncset.done $0x0  }
0x1a: {  	[sflag:s29] =	ssyncadd.s32 $0xFFFFEC00  }
.LBB2_1:
0x1b: {  	[tilespmem:s2], [sflag:$0x5] =	stream.linear.gather [hbm4b:s6+s2], $0x1388, $0x38;
	[tilespmem:$0x14000] =	vst v63  }
0x1c: {  	_ =	swait.ge [sflag:s12], $0x1388  }
0x1d: {  	[sflag:s12] =	ssyncset.done $0x0  }
0x1e: {  	s0 =	simm.s32 $0x1400;
	[sflag:s12] =	ssyncadd.s32 $0xFFFFEC78  }
0x1f: {  	[tilespmem:s0], [sflag:$0x5] =	stream.linear.gather [hbm4b:s7+s2], $0x1388, $0x38;
	[tilespmem:$0x14000] =	vst v63  }
0x20: {  	_ =	swait.ge [sflag:s12], $0x1388  }
0x21: {  	[sflag:s12] =	ssyncset.done $0x0  }
0x22: {  	s1 =	simm.s32 $0x2800;
	[sflag:s12] =	ssyncadd.s32 $0xFFFFEC78  }
0x23: {  	[tilespmem:s1], [sflag:$0x5] =	stream.linear.gather [hbm4b:s8+s2], $0x1388, $0x38;
	[tilespmem:$0x14000] =	vst v63  }
0x24: {  	_ =	swait.ge [sflag:s12], $0x1388  }
0x25: {  	[sflag:s12] =	ssyncset.done $0x0  }
0x26: {  	s13 =	simm.s32 $0x3C00;
	[sflag:s12] =	ssyncadd.s32 $0xFFFFEC78  }
0x27: {  	[tilespmem:s13], [sflag:$0x5] =	stream.linear.gather [hbm4b:s9+s2], $0x1388, $0x38;
	[tilespmem:$0x14000] =	vst v63  }
0x28: {  	_ =	swait.ge [sflag:s12], $0x1388  }
0x29: {  	[sflag:s12] =	ssyncset.done $0x0  }
0x2a: {  	[sflag:s12] =	ssyncadd.s32 $0xFFFFEC78  }
0x2b: {  	[tilespmem:s17], [sflag:$0x1] =	stream.indirect.gather [hbm4b:s4+s16], $0x80, s2, s16, $0xb8;
	[tilespmem:$0x14000] =	vst v63  }
0x2c: {  	_ = 	snop  }
0x2d: {  	[tilespmem:s18], [sflag:$0x1] =	stream.indirect.gather [hbm4b:s4+s16], $0x80, s0, s16, $0xb8;
	[tilespmem:$0x14000] =	vst v63  }
.Ltmp2:
0x2e: {  	_ = 	snop;
	(pc) =	sbr.rel .LBB2_2-.Ltmp2, $4  }
0x2f: {  	_ = 	snop  }
0x30: {  	[tilespmem:s19], [sflag:$0x1] =	stream.indirect.gather [hbm4b:s4+s16], $0x80, s1, s16, $0xb8;
	[tilespmem:$0x14000] =	vst v63  }
0x31: {  	s31 =	simm.s32 $0x0  }
0x32: {  	[tilespmem:s20], [sflag:$0x1] =	stream.indirect.gather [hbm4b:s4+s16], $0x80, s13, s16, $0xb8;
	[tilespmem:$0x14000] =	vst v63  }
.LBB2_8:
0x33: {  	s31 =	sadd.s32 $0x1, s31  }
0x34: {  	p0 =	sne.s32 s31, $0x3F  }
.Ltmp3:
0x35: {  	_ = 	snop;
	(pc) =	sbr.rel @!p0 .LBB2_9-.Ltmp3, $1  }
0x36: {  	_ =	sdelay $0x3  }
.LBB2_2:
0x37: {  	_ =	swait.ge [sflag:s21], $0x1400  }
0x38: {  	[sflag:s21] =	ssyncset.done $0x0  }
0x39: {  	[sflag:s21] =	ssyncadd.s32 $0xFFFFEC00  }
0x3a: {  	_ =	swait.ge [sflag:s21], $0x1400  }
0x3b: {  	[sflag:s21] =	ssyncset.done $0x0  }
0x3c: {  	[sflag:s21] =	ssyncadd.s32 $0xFFFFEC00  }
0x3d: {  	_ =	swait.ge [sflag:s21], $0x1400  }
0x3e: {  	[sflag:s21] =	ssyncset.done $0x0  }
0x3f: {  	s1 =	sshllo.u32 s31, $0x1;
	[sflag:s21] =	ssyncadd.s32 $0xFFFFEC00  }
0x40: {  	p1 =	sgt.u32 s1, $0x7C;
	_ =	swait.ge [sflag:s21], $0x1400  }
0x41: {  	s0 =	smul.u32 @!p1 $0x28, s1;
	[sflag:s21] =	ssyncset.done $0x0  }
0x42: {  	s13 =	simm.s32 @!p1 $0x28;
	s14 =	simm.s32 @!p1 $0xA000;
	[sflag:s21] =	ssyncadd.s32 $0xFFFFEC00  }
0x43: {  	[tilespmem:s14], [sflag:$0x2] =	stream.indirect.gather @!p1 [hbm4b:s4+s13], $0x80, s0, s13, $0xb8;
	[tilespmem:$0x14000] =	vst v63  }
0x44: {  	s15 =	simm.s32 @!p1 $0xB400;
	s14 =	sadd.s32 @!p1 $0x1400, s0  }
0x45: {  	[tilespmem:s15], [sflag:$0x2] =	stream.indirect.gather @!p1 [hbm4b:s4+s13], $0x80, s14, s13, $0xb8;
	[tilespmem:$0x14000] =	vst v63  }
0x46: {  	s14 =	sadd.s32 @!p1 $0x2800, s0;
	s15 =	simm.s32 @!p1 $0xC800  }
0x47: {  	[tilespmem:s15], [sflag:$0x2] =	stream.indirect.gather @!p1 [hbm4b:s4+s13], $0x80, s14, s13, $0xb8;
	[tilespmem:$0x14000] =	vst v63  }
0x48: {  	p0 =	seq.s32 s31, $0x0;
	s0 =	sadd.s32 @!p1 $0x3C00, s0;
	s14 =	simm.s32 @!p1 $0xDC00  }
0x49: {  	[tilespmem:s14], [sflag:$0x2] =	stream.indirect.gather @!p1 [hbm4b:s4+s13], $0x80, s0, s13, $0xb8;
	[tilespmem:$0x14000] =	vst v63  }
0x4a: {  	s0 =	simm.s32 @!p0 $0x3  }
0x4b: {  	_ =	swait.ge @!p0 [sflag:s0], $0x1400  }
0x4c: {  	[sflag:s0] =	ssyncset.done @!p0 $0x0  }
0x4d: {  	[sflag:s0] =	ssyncadd.s32 @!p0 $0xFFFFEC00  }
0x4e: {  	_ =	swait.ge @!p0 [sflag:s0], $0x1400  }
0x4f: {  	[sflag:s0] =	ssyncset.done @!p0 $0x0  }
0x50: {  	[sflag:s0] =	ssyncadd.s32 @!p0 $0xFFFFEC00;
	s0 =	simm.s32 $0x0  }
0x51: {  	v0 =	vld [tilespmem:s0+$0x6430]  }
0x52: {  	v1 =	vld [tilespmem:s0+$0x8C30]  }
0x53: {  	v2 =	vld [tilespmem:s0+$0x6470]  }
0x54: {  	v3 =	vld [tilespmem:s0+$0x8C70]  }
0x55: {  	v4 =	vld [tilespmem:s0+$0x5000]  }
0x56: {  	v6 =	vld [tilespmem:s0+$0x5040]  }
0x57: {  	v8 =	vld [tilespmem:s0+$0x7840]  }
0x58: {  	v9 =	vld [tilespmem:s0+$0x5010]  }
0x59: {  	v11 =	vld [tilespmem:s0+$0x7810]  }
0x5a: {  	v5 =	vld [tilespmem:s0+$0x7800];
	v7 =	vadd.f32 v1, v0;
	v1 =	vsub.f32 v0, v1  }
0x5b: {  	v10 =	vsub.f32 v2, v3;
	v2 =	vadd.f32 v3, v2  }
0x5c: {  	v13 =	vsub.f32 v6, v8;
	v6 =	vadd.f32 v8, v6  }
0x5d: {  	v12 =	vld [tilespmem:s0+$0x7850];
	v7 =	vadd.s32 $0x8000, v7;
	v1 =	vand.u32 $0x7FFFFFFF, v1;
	v10 =	vand.u32 $0x7FFFFFFF, v10  }
0x5e: {  	v14 =	vld [tilespmem:s0+$0x7820];
	v8 =	vand.u32 $0x7FFFFFFF, v13;
	v13 =	vadd.f32 v11, v9;
	v9 =	vsub.f32 v9, v11  }
0x5f: {  	v3 =	vld [tilespmem:s0+$0x5050];
	v6 =	vadd.s32 $0x8000, v6;
	v0 =	vshrl.u32 v7, $0x10;
	v7 =	vsub.f32 v4, v5  }
0x60: {  	v15 =	vld [tilespmem:s0+$0x7830];
	v4 =	vadd.f32 v5, v4;
	v1 =	vadd.s32 $0x8000, v1;
	v5 =	vadd.s32 $0x8000, v10  }
0x61: {  	v23 =	vadd.s32 $0x8000, v2;
	v10 =	vld [tilespmem:s0+$0x5020];
	v1 =	vshrl.u32 v1, $0x10;
	v5 =	vand.u32 $0xFFFF0000, v5  }
0x62: {  	v23 =	vand.u32 $0xFFFF0000, v23;
	v7 =	vand.u32 $0x7FFFFFFF, v7;
	v1 =	vor.u32 v1, v5;
	v5 =	vld [tilespmem:s0+$0x5060]  }
0x63: {  	v9 =	vand.u32 $0x7FFFFFFF, v9;
	v11 =	vadd.s32 $0x8000, v4;
	[tilespmem:s0+$0x10470] =	vst v1;
	v1 =	vadd.s32 $0x8000, v7;
	v7 =	vld [tilespmem:s0+$0x7860]  }
0x64: {  	v17 =	vld [tilespmem:s0+$0x7870];
	v4 =	vadd.s32 $0x8000, v8;
	v8 =	vadd.f32 v12, v3;
	v3 =	vsub.f32 v3, v12  }
0x65: {  	v13 =	vadd.s32 $0x8000, v13;
	v12 =	vld [tilespmem:s0+$0x5030];
	v9 =	vadd.s32 $0x8000, v9;
	v31 =	vand.u32 $0xFFFF0000, v4  }
0x66: {  	v3 =	vand.u32 $0x7FFFFFFF, v3;
	v16 =	vadd.f32 v14, v10;
	v10 =	vsub.f32 v10, v14;
	v14 =	vld [tilespmem:s0+$0x5070]  }
0x67: {  	v8 =	vadd.s32 $0x8000, v8;
	v27 =	vshrl.u32 v1, $0x10;
	v3 =	vadd.s32 $0x8000, v3  }
0x68: {  	v26 =	vand.u32 $0xFFFF0000, v8;
	v2 =	vadd.f32 v7, v5;
	v5 =	vsub.f32 v5, v7  }
0x69: {  	v31 =	vor.u32 v27, v31;
	v10 =	vand.u32 $0x7FFFFFFF, v10;
	v18 =	vadd.s32 $0x8000, v16;
	v16 =	vld [tilespmem:s0+$0x8C00]  }
0x6a: {  	v7 =	vld [tilespmem:s0+$0x6400];
	v10 =	vadd.s32 $0x8000, v10;
	v1 =	vand.u32 $0x7FFFFFFF, v5;
	v5 =	vadd.f32 v15, v12  }
0x6b: {  	v19 =	vld [tilespmem:s0+$0x8C40];
	v12 =	vsub.f32 v12, v15;
	v22 =	vadd.s32 $0x8000, v2;
	v20 =	vadd.f32 v17, v14  }
0x6c: {  	v15 =	vld [tilespmem:s0+$0x6440];
	v4 =	vadd.s32 $0x8000, v1;
	v1 =	vshrl.u32 v9, $0x10;
	v29 =	vand.u32 $0xFFFF0000, v22  }
0x6d: {  	v2 =	vand.u32 $0x7FFFFFFF, v12;
	v12 =	vsub.f32 v14, v17;
	v14 =	vld [tilespmem:s0+$0x6410];
	v9 =	vadd.s32 $0x8000, v5  }
0x6e: {  	v17 =	vld [tilespmem:s0+$0x8C10];
	v32 =	vadd.s32 $0x8000, v20;
	v4 =	vand.u32 $0xFFFF0000, v4;
	v5 =	vadd.s32 $0x8000, v2  }
0x6f: {  	v20 =	vld [tilespmem:s0+$0x8C50];
	v21 =	vadd.f32 v16, v7;
	v7 =	vsub.f32 v7, v16;
	v2 =	vand.u32 $0xFFFF0000, v3  }
0x70: {  	v16 =	vld [tilespmem:s0+$0x6450];
	v3 =	vshrl.u32 v10, $0x10;
	v22 =	vand.u32 $0xFFFF0000, v32;
	v12 =	vand.u32 $0x7FFFFFFF, v12  }
0x71: {  	v24 =	vadd.f32 v19, v15;
	v7 =	vand.u32 $0x7FFFFFFF, v7;
	v15 =	vsub.f32 v15, v19;
	v19 =	vld [tilespmem:s0+$0x6420]  }
0x72: {  	v5 =	vshrl.u32 v5, $0x10;
	v12 =	vadd.s32 $0x8000, v12;
	v10 =	vadd.s32 $0x8000, v7;
	v7 =	vld [tilespmem:s0+$0x8C20]  }
0x73: {  	v33 =	vadd.s32 $0x8000, v21;
	v21 =	vadd.f32 v17, v14;
	v14 =	vsub.f32 v14, v17;
	v17 =	vld [tilespmem:s0+$0x6460]  }
0x74: {  	v15 =	vand.u32 $0x7FFFFFFF, v15;
	v34 =	vadd.s32 $0x8000, v24;
	v24 =	vld [tilespmem:s0+$0x8C60];
	v10 =	vshrl.u32 v10, $0x10  }
0x75: {  	v25 =	vadd.f32 v20, v16;
	v16 =	vsub.f32 v16, v20;
	v14 =	vand.u32 $0x7FFFFFFF, v14  }
0x76: {  	v15 =	vadd.s32 $0x8000, v15;
	v35 =	vadd.s32 $0x8000, v21;
	v14 =	vadd.s32 $0x8000, v14  }
0x77: {  	v16 =	vand.u32 $0x7FFFFFFF, v16;
	v36 =	vadd.s32 $0x8000, v25;
	v25 =	vand.u32 $0xFFFF0000, v6  }
0x78: {  	v20 =	vadd.f32 v7, v19;
	v19 =	vsub.f32 v19, v7;
	v7 =	vand.u32 $0xFFFF0000, v12  }
0x79: {  	v12 =	vadd.s32 $0x8000, v16;
	v21 =	vadd.f32 v24, v17;
	v17 =	vsub.f32 v17, v24  }
0x7a: {  	v16 =	vand.u32 $0x7FFFFFFF, v19;
	v37 =	vadd.s32 $0x8000, v20;
	v19 =	vshrl.u32 v14, $0x10  }
0x7b: {  	v20 =	vand.u32 $0xFFFF0000, v12;
	v14 =	vand.u32 $0xFFFF0000, v36;
	v24 =	vadd.s32 $0x8000, v16  }
0x7c: {  	v16 =	vand.u32 $0xFFFF0000, v15;
	v38 =	vadd.s32 $0x8000, v21;
	v15 =	vand.u32 $0x7FFFFFFF, v17  }
0x7d: {  	s13 =	simm.s32 $0x80;
	v17 =	vshrl.u32 v11, $0x10;
	v21 =	vshrl.u32 v13, $0x10;
	v11 =	vshrl.u32 v33, $0x10  }
0x7e: {  	v6 =	vld [tilespmem:s13+$0x6430];
	v13 =	vand.u32 $0xFFFF0000, v34;
	v12 =	vadd.s32 $0x8000, v15;
	v28 =	vshrl.u32 v24, $0x10  }
0x7f: {  	v24 =	vshrl.u32 v18, $0x10;
	v18 =	vshrl.u32 v9, $0x10;
	v9 =	vld [tilespmem:s13+$0x8C30];
	v15 =	vshrl.u32 v37, $0x10  }
0x80: {  	s14 =	simm.s32 $0x400;
	v8 =	vld [tilespmem:s13+$0x6470];
	v27 =	vand.u32 $0xFFFF0000, v38;
	v30 =	vand.u32 $0xFFFF0000, v12;
	v12 =	vshrl.u32 v35, $0x10  }
.LBB2_3:
0x81: {  	p2 =	sne.s32 s14, $0x4E00;
	v32 =	vld [tilespmem:s13+$0x8C70];
	[tilespmem:s0+$0xF040] =	vst v31;
	v1 =	vor.u32 v1, v2;
	v2 =	vor.u32 v3, v4;
	v3 =	vor.u32 v5, v7  }
0x82: {  	v5 =	vor.u32 v19, v20;
	v7 =	vor.u32 v28, v30;
	v4 =	vld [tilespmem:s13+$0x5000];
	[tilespmem:s0+$0xF050] =	vst v1;
	v1 =	vor.u32 v10, v16  }
0x83: {  	v19 =	vor.u32 v24, v29;
	v16 =	vor.u32 v17, v25;
	v17 =	vor.u32 v21, v26;
	v10 =	vld [tilespmem:s13+$0x7800];
	[tilespmem:s0+$0xF060] =	vst v2  }
0x84: {  	v18 =	vor.u32 v18, v22;
	v2 =	vld [tilespmem:s13+$0x5040];
	v20 =	vadd.f32 v9, v6;
	[tilespmem:s0+$0xF070] =	vst v3;
	v3 =	vor.u32 v11, v13  }
0x85: {  	v13 =	vor.u32 v0, v23;
	v11 =	vld [tilespmem:s13+$0x7840];
	[tilespmem:s0+$0x10440] =	vst v1;
	v1 =	vor.u32 v12, v14;
	v12 =	vor.u32 v15, v27  }
0x86: {  	v6 =	vsub.f32 v6, v9;
	v14 =	vld [tilespmem:s13+$0x5010];
	v0 =	vadd.s32 $0x8000, v20;
	v9 =	vsub.f32 v8, v32;
	[tilespmem:s0+$0x10450] =	vst v5  }
0x87: {  	v8 =	vadd.f32 v32, v8;
	v5 =	vld [tilespmem:s13+$0x7810];
	v0 =	vshrl.u32 v0, $0x10;
	[tilespmem:s0+$0x10460] =	vst v7  }
0x88: {  	v6 =	vand.u32 $0x7FFFFFFF, v6;
	v7 =	vsub.f32 v4, v10;
	v15 =	vld [tilespmem:s13+$0x5050];
	v9 =	vand.u32 $0x7FFFFFFF, v9;
	[tilespmem:s0+$0xF000] =	vst v16  }
0x89: {  	v6 =	vadd.s32 $0x8000, v6;
	v4 =	vadd.f32 v10, v4;
	v10 =	vld [tilespmem:s13+$0x7850];
	v9 =	vadd.s32 $0x8000, v9;
	[tilespmem:s0+$0xF010] =	vst v17  }
0x8a: {  	v6 =	vshrl.u32 v6, $0x10;
	v16 =	vsub.f32 v2, v11;
	v17 =	vld [tilespmem:s13+$0x5020];
	v9 =	vand.u32 $0xFFFF0000, v9;
	[tilespmem:s0+$0xF020] =	vst v19  }
0x8b: {  	v2 =	vadd.f32 v11, v2;
	v7 =	vand.u32 $0x7FFFFFFF, v7;
	v11 =	vld [tilespmem:s13+$0x7820];
	v6 =	vor.u32 v6, v9;
	[tilespmem:s0+$0xF030] =	vst v18  }
0x8c: {  	v9 =	vand.u32 $0x7FFFFFFF, v16;
	v16 =	vadd.f32 v5, v14;
	v5 =	vsub.f32 v14, v5;
	v14 =	vld [tilespmem:s13+$0x5060];
	[tilespmem:s13+$0x10470] =	vst v6  }
0x8d: {  	v6 =	vadd.s32 $0x8000, v4;
	v4 =	vadd.s32 $0x8000, v7;
	v7 =	vadd.s32 $0x8000, v9;
	v9 =	vld [tilespmem:s13+$0x7860];
	[tilespmem:s0+$0x10400] =	vst v3  }
0x8e: {  	v3 =	vadd.f32 v10, v15;
	v5 =	vand.u32 $0x7FFFFFFF, v5;
	v10 =	vsub.f32 v15, v10;
	v15 =	vld [tilespmem:s13+$0x5030];
	[tilespmem:s0+$0x10410] =	vst v1  }
0x8f: {  	v18 =	vadd.s32 $0x8000, v2;
	v21 =	vadd.s32 $0x8000, v16;
	v1 =	vadd.s32 $0x8000, v5;
	v2 =	vld [tilespmem:s13+$0x7830];
	[tilespmem:s0+$0x10420] =	vst v12  }
0x90: {  	v5 =	vand.u32 $0x7FFFFFFF, v10;
	v10 =	vadd.f32 v11, v17;
	v11 =	vsub.f32 v17, v11;
	v12 =	vld [tilespmem:s13+$0x5070];
	[tilespmem:s0+$0x10430] =	vst v13;
	s0 =	smov.u32 s13  }
0x91: {  	v23 =	vadd.s32 $0x8000, v8;
	v13 =	vadd.s32 $0x8000, v3;
	v3 =	vadd.s32 $0x8000, v5;
	v5 =	vld [tilespmem:s0+$0x7870]  }
0x92: {  	v8 =	vadd.f32 v9, v14;
	v11 =	vand.u32 $0x7FFFFFFF, v11;
	v9 =	vsub.f32 v14, v9;
	v14 =	vld [tilespmem:s0+$0x6400]  }
0x93: {  	v27 =	vshrl.u32 v4, $0x10;
	v22 =	vadd.s32 $0x8000, v10;
	v4 =	vadd.s32 $0x8000, v11;
	v10 =	vld [tilespmem:s0+$0x8C00]  }
0x94: {  	v9 =	vand.u32 $0x7FFFFFFF, v9;
	v11 =	vadd.f32 v2, v15;
	v2 =	vsub.f32 v15, v2;
	v15 =	vld [tilespmem:s0+$0x6440]  }
0x95: {  	v31 =	vand.u32 $0xFFFF0000, v7;
	v8 =	vadd.s32 $0x8000, v8;
	v7 =	vadd.s32 $0x8000, v9;
	v9 =	vld [tilespmem:s0+$0x8C40]  }
0x96: {  	v16 =	vadd.f32 v5, v12;
	v2 =	vand.u32 $0x7FFFFFFF, v2;
	v5 =	vsub.f32 v12, v5;
	v12 =	vld [tilespmem:s0+$0x6410]  }
0x97: {  	v1 =	vshrl.u32 v1, $0x10;
	v11 =	vadd.s32 $0x8000, v11;
	v17 =	vadd.s32 $0x8000, v2;
	v19 =	vld [tilespmem:s0+$0x8C10]  }
0x98: {  	v5 =	vand.u32 $0x7FFFFFFF, v5;
	v20 =	vadd.f32 v10, v14;
	v10 =	vsub.f32 v14, v10;
	v14 =	vld [tilespmem:s0+$0x6450]  }
0x99: {  	v2 =	vand.u32 $0xFFFF0000, v3;
	v32 =	vadd.s32 $0x8000, v16;
	v16 =	vadd.s32 $0x8000, v5;
	v5 =	vld [tilespmem:s0+$0x8C50]  }
0x9a: {  	v24 =	vadd.f32 v9, v15;
	v10 =	vand.u32 $0x7FFFFFFF, v10;
	v9 =	vsub.f32 v15, v9;
	v15 =	vld [tilespmem:s0+$0x6420]  }
0x9b: {  	v3 =	vshrl.u32 v4, $0x10;
	v33 =	vadd.s32 $0x8000, v20;
	v10 =	vadd.s32 $0x8000, v10;
	v20 =	vld [tilespmem:s0+$0x8C20]  }
0x9c: {  	v9 =	vand.u32 $0x7FFFFFFF, v9;
	v25 =	vadd.f32 v19, v12;
	v12 =	vsub.f32 v12, v19;
	v19 =	vld [tilespmem:s0+$0x6460]  }
0x9d: {  	v4 =	vand.u32 $0xFFFF0000, v7;
	v34 =	vadd.s32 $0x8000, v24;
	v9 =	vadd.s32 $0x8000, v9;
	v24 =	vld [tilespmem:s0+$0x8C60]  }
0x9e: {  	v26 =	vadd.f32 v5, v14;
	v7 =	vand.u32 $0x7FFFFFFF, v12;
	v12 =	vsub.f32 v14, v5  }
0x9f: {  	v5 =	vshrl.u32 v17, $0x10;
	v14 =	vadd.s32 $0x8000, v25;
	v17 =	vadd.s32 $0x8000, v7  }
0xa0: {  	v12 =	vand.u32 $0x7FFFFFFF, v12;
	v25 =	vadd.f32 v20, v15;
	v15 =	vsub.f32 v15, v20  }
0xa1: {  	v7 =	vand.u32 $0xFFFF0000, v16;
	v35 =	vadd.s32 $0x8000, v26;
	v12 =	vadd.s32 $0x8000, v12  }
0xa2: {  	v20 =	vadd.f32 v24, v19;
	v15 =	vand.u32 $0x7FFFFFFF, v15;
	v19 =	vsub.f32 v19, v24  }
0xa3: {  	v10 =	vshrl.u32 v10, $0x10;
	v36 =	vadd.s32 $0x8000, v25;
	v15 =	vadd.s32 $0x8000, v15  }
0xa4: {  	v16 =	vand.u32 $0xFFFF0000, v9;
	v37 =	vadd.s32 $0x8000, v20;
	v9 =	vand.u32 $0x7FFFFFFF, v19  }
0xa5: {  	v19 =	vshrl.u32 v17, $0x10;
	v20 =	vand.u32 $0xFFFF0000, v12;
	v9 =	vadd.s32 $0x8000, v9  }
0xa6: {  	v17 =	vshrl.u32 v6, $0x10;
	v28 =	vshrl.u32 v15, $0x10;
	v30 =	vand.u32 $0xFFFF0000, v9  }
.Ltmp4:
0xa7: {  	v21 =	vshrl.u32 v21, $0x10;
	v26 =	vand.u32 $0xFFFF0000, v13;
	v25 =	vand.u32 $0xFFFF0000, v18;
	(pc) =	sbr.rel @p2 .LBB2_3-.Ltmp4, $4  }
0xa8: {  	s13 =	sshra.s32 s14, $0x2;
	v29 =	vand.u32 $0xFFFF0000, v8;
	v24 =	vshrl.u32 v22, $0x10;
	v18 =	vshrl.u32 v11, $0x10  }
0xa9: {  	v13 =	vand.u32 $0xFFFF0000, v34;
	v22 =	vand.u32 $0xFFFF0000, v32;
	v11 =	vshrl.u32 v33, $0x10;
	v6 =	vld [tilespmem:s13+$0x6430]  }
0xaa: {  	v12 =	vshrl.u32 v14, $0x10;
	v14 =	vand.u32 $0xFFFF0000, v35;
	v15 =	vshrl.u32 v36, $0x10;
	v9 =	vld [tilespmem:s13+$0x8C30]  }
0xab: {  	v23 =	vand.u32 $0xFFFF0000, v23;
	v31 =	vor.u32 v27, v31;
	s14 =	sadd.s32 $0x200, s14;
	v27 =	vand.u32 $0xFFFF0000, v37;
	v8 =	vld [tilespmem:s13+$0x6470]  }
0xac: {  	v32 =	vld [tilespmem:s13+$0x8C70];
	[tilespmem:s0+$0xF040] =	vst v31;
	v1 =	vor.u32 v1, v2  }
0xad: {  	v43 =	vor.u32 v3, v4;
	v42 =	vld [tilespmem:s13+$0x5000];
	[tilespmem:s0+$0xF050] =	vst v1  }
0xae: {  	v45 =	vor.u32 v5, v7;
	v44 =	vld [tilespmem:s13+$0x7800];
	[tilespmem:s0+$0xF060] =	vst v43  }
0xaf: {  	v47 =	vor.u32 v10, v16;
	v46 =	vld [tilespmem:s13+$0x5040];
	[tilespmem:s0+$0xF070] =	vst v45  }
0xb0: {  	v49 =	vor.u32 v19, v20;
	v48 =	vld [tilespmem:s13+$0x7840];
	[tilespmem:s0+$0x10440] =	vst v47  }
0xb1: {  	v51 =	vor.u32 v28, v30;
	v57 =	vsub.f32 v6, v9;
	v50 =	vld [tilespmem:s13+$0x5010];
	[tilespmem:s0+$0x10450] =	vst v49;
	v58 =	vsub.f32 v8, v32  }
0xb2: {  	v53 =	vor.u32 v17, v25;
	v52 =	vld [tilespmem:s13+$0x7810];
	[tilespmem:s0+$0x10460] =	vst v51  }
0xb3: {  	v55 =	vor.u32 v21, v26;
	v19 =	vand.u32 $0x7FFFFFFF, v57;
	v54 =	vld [tilespmem:s13+$0x5050];
	[tilespmem:s0+$0xF000] =	vst v53;
	v20 =	vand.u32 $0x7FFFFFFF, v58  }
0xb4: {  	v59 =	vor.u32 v24, v29;
	v62 =	vadd.s32 $0x8000, v19;
	v56 =	vld [tilespmem:s13+$0x7850];
	[tilespmem:s0+$0xF010] =	vst v55;
	v63 =	vadd.s32 $0x8000, v20  }
0xb5: {  	v61 =	vor.u32 v18, v22;
	v18 =	vshrl.u32 v62, $0x10;
	v60 =	vld [tilespmem:s13+$0x5020];
	[tilespmem:s0+$0xF020] =	vst v59;
	v19 =	vand.u32 $0xFFFF0000, v63  }
0xb6: {  	v24 =	vld [tilespmem:s13+$0x7820];
	[tilespmem:s0+$0xF030] =	vst v61;
	v25 =	vor.u32 v18, v19  }
0xb7: {  	v29 =	vor.u32 v11, v13;
	v30 =	vor.u32 v12, v14;
	v28 =	vadd.f32 v9, v6;
	v26 =	vld [tilespmem:s13+$0x5060];
	[tilespmem:s13+$0x10470] =	vst v25  }
0xb8: {  	v31 =	vor.u32 v15, v27;
	v34 =	vor.u32 v0, v23;
	v32 =	vadd.f32 v32, v8;
	v33 =	vld [tilespmem:s13+$0x7860];
	[tilespmem:s0+$0x10400] =	vst v29  }
0xb9: {  	v0 =	vadd.s32 $0x8000, v28;
	v35 =	vsub.f32 v42, v44;
	v2 =	vadd.f32 v44, v42;
	v38 =	vld [tilespmem:s13+$0x5030];
	[tilespmem:s0+$0x10410] =	vst v30  }
0xba: {  	v0 =	vshrl.u32 v0, $0x10;
	v8 =	vadd.s32 $0x8000, v32;
	v43 =	vld [tilespmem:s13+$0x7830];
	[tilespmem:s0+$0x10420] =	vst v31  }
0xbb: {  	v36 =	vsub.f32 v46, v48;
	v39 =	vand.u32 $0x7FFFFFFF, v35;
	v2 =	vadd.s32 $0x8000, v2;
	v11 =	vld [tilespmem:s13+$0x5070];
	[tilespmem:s0+$0x10430] =	vst v34  }
0xbc: {  	v37 =	vadd.f32 v48, v46;
	v5 =	vadd.s32 $0x8000, v39;
	v2 =	vshrl.u32 v2, $0x10;
	v48 =	vld [tilespmem:s13+$0x7870]  }
0xbd: {  	v40 =	vand.u32 $0x7FFFFFFF, v36;
	v41 =	vadd.f32 v52, v50;
	v42 =	vsub.f32 v50, v52;
	v50 =	vld [tilespmem:s13+$0x6400]  }
0xbe: {  	v3 =	vadd.s32 $0x8000, v37;
	v5 =	vshrl.u32 v5, $0x10;
	v6 =	vadd.s32 $0x8000, v40;
	v51 =	vld [tilespmem:s13+$0x8C00]  }
0xbf: {  	v3 =	vand.u32 $0xFFFF0000, v3;
	v44 =	vadd.f32 v56, v54;
	v45 =	vsub.f32 v54, v56;
	v53 =	vld [tilespmem:s13+$0x6440]  }
0xc0: {  	v1 =	vand.u32 $0x7FFFFFFF, v42;
	v9 =	vadd.s32 $0x8000, v41;
	v6 =	vand.u32 $0xFFFF0000, v6;
	v54 =	vld [tilespmem:s13+$0x8C40]  }
0xc1: {  	v2 =	vor.u32 v2, v3;
	v1 =	vadd.s32 $0x8000, v1;
	v5 =	vor.u32 v5, v6;
	v56 =	vld [tilespmem:s13+$0x6410]  }
0xc2: {  	v14 =	vand.u32 $0x7FFFFFFF, v45;
	v46 =	vadd.f32 v24, v60;
	v47 =	vsub.f32 v60, v24;
	v57 =	vld [tilespmem:s13+$0x8C10]  }
0xc3: {  	v10 =	vadd.s32 $0x8000, v44;
	v1 =	vshrl.u32 v1, $0x10;
	v14 =	vadd.s32 $0x8000, v14;
	v59 =	vld [tilespmem:s13+$0x6450]  }
0xc4: {  	v49 =	vadd.f32 v33, v26;
	v12 =	vsub.f32 v26, v33;
	v61 =	vld [tilespmem:s13+$0x8C50];
	v13 =	vand.u32 $0x7FFFFFFF, v47  }
0xc5: {  	v63 =	vld [tilespmem:s13+$0x6420];
	v15 =	vadd.s32 $0x8000, v46;
	v14 =	vand.u32 $0xFFFF0000, v14;
	v13 =	vadd.s32 $0x8000, v13  }
0xc6: {  	v33 =	vld [tilespmem:s13+$0x8C20];
	v12 =	vand.u32 $0x7FFFFFFF, v12;
	v52 =	vadd.f32 v43, v38;
	v4 =	vsub.f32 v38, v43  }
0xc7: {  	v35 =	vld [tilespmem:s13+$0x6460];
	v7 =	vadd.s32 $0x8000, v49;
	v55 =	vadd.f32 v48, v11;
	v11 =	vsub.f32 v11, v48  }
0xc8: {  	v37 =	vld [tilespmem:s13+$0x8C60];
	v1 =	vor.u32 v1, v14;
	v58 =	vadd.f32 v51, v50;
	v18 =	vsub.f32 v50, v51  }
0xc9: {  	v12 =	vadd.s32 $0x8000, v12;
	v62 =	vadd.f32 v54, v53;
	v17 =	vsub.f32 v53, v54  }
0xca: {  	v13 =	vshrl.u32 v13, $0x10;
	v34 =	vadd.f32 v57, v56;
	v16 =	vsub.f32 v56, v57  }
0xcb: {  	v12 =	vand.u32 $0xFFFF0000, v12;
	v38 =	vadd.f32 v61, v59;
	v22 =	vsub.f32 v59, v61  }
0xcc: {  	v4 =	vand.u32 $0x7FFFFFFF, v4;
	v40 =	vsub.f32 v63, v33;
	v21 =	vadd.f32 v33, v63  }
0xcd: {  	v20 =	vadd.s32 $0x8000, v52;
	v42 =	vadd.f32 v37, v35;
	v26 =	vsub.f32 v35, v37  }
0xce: {  	v12 =	vor.u32 v13, v12;
	v51 =	vshrl.u32 v9, $0x10;
	v63 =	vand.u32 $0xFFFF0000, v8  }
0xcf: {  	v52 =	vand.u32 $0xFFFF0000, v10;
	v4 =	vadd.s32 $0x8000, v4;
	v0 =	vor.u32 v0, v63  }
0xd0: {  	v11 =	vand.u32 $0x7FFFFFFF, v11;
	v60 =	vadd.s32 $0x8000, v55;
	v18 =	vand.u32 $0x7FFFFFFF, v18  }
0xd1: {  	v24 =	vadd.s32 $0x8000, v58;
	v17 =	vand.u32 $0x7FFFFFFF, v17;
	v36 =	vadd.s32 $0x8000, v62  }
0xd2: {  	v16 =	vand.u32 $0x7FFFFFFF, v16;
	v4 =	vshrl.u32 v4, $0x10;
	v22 =	vand.u32 $0x7FFFFFFF, v22  }
0xd3: {  	[tilespmem:s13+$0xF040] =	vst v5;
	v28 =	vand.u32 $0x7FFFFFFF, v40;
	v43 =	vadd.s32 $0x8000, v21;
	v46 =	vadd.s32 $0x8000, v42  }
0xd4: {  	[tilespmem:s13+$0xF000] =	vst v2;
	v47 =	vand.u32 $0x7FFFFFFF, v26;
	v55 =	vshrl.u32 v20, $0x10;
	v11 =	vadd.s32 $0x8000, v11  }
0xd5: {  	[tilespmem:s13+$0xF050] =	vst v1;
	v18 =	vadd.s32 $0x8000, v18;
	v17 =	vadd.s32 $0x8000, v17;
	v16 =	vadd.s32 $0x8000, v16  }
0xd6: {  	[tilespmem:s13+$0xF060] =	vst v12;
	v22 =	vadd.s32 $0x8000, v22;
	v44 =	vadd.s32 $0x8000, v28;
	v56 =	vand.u32 $0xFFFF0000, v60  }
0xd7: {  	[tilespmem:s13+$0x10430] =	vst v0;
	v57 =	vshrl.u32 v24, $0x10;
	v58 =	vand.u32 $0xFFFF0000, v36;
	v2 =	vor.u32 v55, v56  }
0xd8: {  	v1 =	vadd.s32 $0x8000, v47;
	v11 =	vand.u32 $0xFFFF0000, v11;
	v3 =	vor.u32 v57, v58;
	[tilespmem:s13+$0xF030] =	vst v2  }
0xd9: {  	v18 =	vshrl.u32 v18, $0x10;
	v45 =	vand.u32 $0xFFFF0000, v17;
	v4 =	vor.u32 v4, v11;
	[tilespmem:s13+$0x10400] =	vst v3  }
0xda: {  	v48 =	vshrl.u32 v16, $0x10;
	v49 =	vand.u32 $0xFFFF0000, v22;
	v5 =	vor.u32 v18, v45;
	[tilespmem:s13+$0xF070] =	vst v4  }
0xdb: {  	v50 =	vshrl.u32 v44, $0x10;
	v1 =	vand.u32 $0xFFFF0000, v1;
	v11 =	vor.u32 v48, v49;
	[tilespmem:s13+$0x10440] =	vst v5  }
0xdc: {  	v61 =	vshrl.u32 v43, $0x10;
	v62 =	vand.u32 $0xFFFF0000, v46;
	v1 =	vor.u32 v50, v1;
	[tilespmem:s13+$0x10450] =	vst v11  }
0xdd: {  	s0 =	smul.u32 $0x50, s31;
	v53 =	vshrl.u32 v15, $0x10;
	v54 =	vand.u32 $0xFFFF0000, v7;
	v2 =	vor.u32 v61, v62;
	[tilespmem:s13+$0x10460] =	vst v1  }
0xde: {  	v39 =	vadd.s32 $0x8000, v34;
	v41 =	vadd.s32 $0x8000, v38;
	v4 =	vor.u32 v51, v52;
	[tilespmem:s13+$0x10420] =	vst v2  }
0xdf: {  	s14 =	sadd.s32 s3, s0;
	v59 =	vshrl.u32 v39, $0x10;
	v60 =	vand.u32 $0xFFFF0000, v41;
	v1 =	vor.u32 v53, v54;
	[tilespmem:s13+$0xF010] =	vst v4  }
.Ltmp5:
0xe0: {  	s14 =	sshll.u32 s14, $0x4;
	[tilespmem:s13+$0xF020] =	vst v1;
	v1 =	vor.u32 v59, v60;
	(pc) =	sbr.rel @p1 .LBB2_8-.Ltmp5, $4  }
0xe1: {  	s15 =	sadd.s32 s5, s14;
	[tilespmem:s13+$0x10410] =	vst v1  }
0xe2: {  	[hbm4b:s15+s2] =	stream.linear.scatter [tilespmem:s22], [sflag:$0x3], $0x1400, $0x38;
	[tilespmem:$0x14000] =	vst v63  }
0xe3: {  	s15 =	sadd.s32 s14, s10  }
0xe4: {  	[hbm4b:s15+s2] =	stream.linear.scatter [tilespmem:s23], [sflag:$0x3], $0x1400, $0x38;
	[tilespmem:$0x14000] =	vst v63  }
0xe5: {  	_ =	swait.ge [sflag:s24], $0x1400  }
0xe6: {  	[sflag:s24] =	ssyncset.done $0x0  }
0xe7: {  	[sflag:s24] =	ssyncadd.s32 $0xFFFFEC00  }
0xe8: {  	_ =	swait.ge [sflag:s24], $0x1400  }
0xe9: {  	[sflag:s24] =	ssyncset.done $0x0  }
0xea: {  	[sflag:s24] =	ssyncadd.s32 $0xFFFFEC00  }
0xeb: {  	_ =	swait.ge [sflag:s24], $0x1400  }
0xec: {  	[sflag:s24] =	ssyncset.done $0x0  }
0xed: {  	[sflag:s24] =	ssyncadd.s32 $0xFFFFEC00  }
0xee: {  	_ =	swait.ge [sflag:s24], $0x1400  }
0xef: {  	[sflag:s24] =	ssyncset.done $0x0  }
0xf0: {  	s13 =	sadd.s32 $0x50, s0;
	[sflag:s24] =	ssyncadd.s32 $0xFFFFEC00  }
0xf1: {  	[tilespmem:s17], [sflag:$0x1] =	stream.indirect.gather [hbm4b:s4+s16], $0x80, s13, s16, $0xb8;
	[tilespmem:$0x14000] =	vst v63  }
0xf2: {  	s15 =	sadd.s32 $0x1450, s0  }
0xf3: {  	[tilespmem:s18], [sflag:$0x1] =	stream.indirect.gather [hbm4b:s4+s16], $0x80, s15, s16, $0xb8;
	[tilespmem:$0x14000] =	vst v63  }
0xf4: {  	s14 =	sadd.s32 $0x2850, s0  }
0xf5: {  	[tilespmem:s19], [sflag:$0x1] =	stream.indirect.gather [hbm4b:s4+s16], $0x80, s14, s16, $0xb8;
	[tilespmem:$0x14000] =	vst v63  }
0xf6: {  	s15 =	sadd.s32 $0x3C50, s0;
	s0 =	simm.s32 @!p0 $0x4  }
0xf7: {  	[tilespmem:s20], [sflag:$0x1] =	stream.indirect.gather [hbm4b:s4+s16], $0x80, s15, s16, $0xb8;
	[tilespmem:$0x14000] =	vst v63  }
0xf8: {  	_ =	swait.ge @!p0 [sflag:s0], $0x1400  }
0xf9: {  	[sflag:s0] =	ssyncset.done @!p0 $0x0  }
0xfa: {  	[sflag:s0] =	ssyncadd.s32 @!p0 $0xFFFFEC00  }
0xfb: {  	_ =	swait.ge @!p0 [sflag:s0], $0x1400  }
0xfc: {  	[sflag:s0] =	ssyncset.done @!p0 $0x0  }
0xfd: {  	[sflag:s0] =	ssyncadd.s32 @!p0 $0xFFFFEC00;
	s0 =	simm.s32 $0x0  }
0xfe: {  	v0 =	vld [tilespmem:s0+$0xB430]  }
0xff: {  	v1 =	vld [tilespmem:s0+$0xDC30]  }
0x100: {  	v2 =	vld [tilespmem:s0+$0xB470]  }
0x101: {  	v3 =	vld [tilespmem:s0+$0xDC70]  }
0x102: {  	v4 =	vld [tilespmem:s0+$0xA000]  }
0x103: {  	v6 =	vld [tilespmem:s0+$0xA040]  }
0x104: {  	v8 =	vld [tilespmem:s0+$0xC840]  }
0x105: {  	v9 =	vld [tilespmem:s0+$0xA010]  }
0x106: {  	v11 =	vld [tilespmem:s0+$0xC810]  }
0x107: {  	v5 =	vld [tilespmem:s0+$0xC800];
	v7 =	vadd.f32 v1, v0;
	v1 =	vsub.f32 v0, v1  }
0x108: {  	v10 =	vsub.f32 v2, v3;
	v2 =	vadd.f32 v3, v2  }
0x109: {  	v13 =	vsub.f32 v6, v8;
	v6 =	vadd.f32 v8, v6  }
0x10a: {  	v12 =	vld [tilespmem:s0+$0xC850];
	v7 =	vadd.s32 $0x8000, v7;
	v1 =	vand.u32 $0x7FFFFFFF, v1;
	v10 =	vand.u32 $0x7FFFFFFF, v10  }
0x10b: {  	v14 =	vld [tilespmem:s0+$0xC820];
	v8 =	vand.u32 $0x7FFFFFFF, v13;
	v13 =	vadd.f32 v11, v9;
	v9 =	vsub.f32 v9, v11  }
0x10c: {  	v3 =	vld [tilespmem:s0+$0xA050];
	v6 =	vadd.s32 $0x8000, v6;
	v0 =	vshrl.u32 v7, $0x10;
	v7 =	vsub.f32 v4, v5  }
0x10d: {  	v15 =	vld [tilespmem:s0+$0xC830];
	v4 =	vadd.f32 v5, v4;
	v1 =	vadd.s32 $0x8000, v1;
	v5 =	vadd.s32 $0x8000, v10  }
0x10e: {  	v23 =	vadd.s32 $0x8000, v2;
	v10 =	vld [tilespmem:s0+$0xA020];
	v1 =	vshrl.u32 v1, $0x10;
	v5 =	vand.u32 $0xFFFF0000, v5  }
0x10f: {  	v23 =	vand.u32 $0xFFFF0000, v23;
	v7 =	vand.u32 $0x7FFFFFFF, v7;
	v1 =	vor.u32 v1, v5;
	v5 =	vld [tilespmem:s0+$0xA060]  }
0x110: {  	v9 =	vand.u32 $0x7FFFFFFF, v9;
	v11 =	vadd.s32 $0x8000, v4;
	[tilespmem:s0+$0x12C70] =	vst v1;
	v1 =	vadd.s32 $0x8000, v7;
	v7 =	vld [tilespmem:s0+$0xC860]  }
0x111: {  	v17 =	vld [tilespmem:s0+$0xC870];
	v4 =	vadd.s32 $0x8000, v8;
	v8 =	vadd.f32 v12, v3;
	v3 =	vsub.f32 v3, v12  }
0x112: {  	v13 =	vadd.s32 $0x8000, v13;
	v12 =	vld [tilespmem:s0+$0xA030];
	v9 =	vadd.s32 $0x8000, v9;
	v31 =	vand.u32 $0xFFFF0000, v4  }
0x113: {  	v3 =	vand.u32 $0x7FFFFFFF, v3;
	v16 =	vadd.f32 v14, v10;
	v10 =	vsub.f32 v10, v14;
	v14 =	vld [tilespmem:s0+$0xA070]  }
0x114: {  	v8 =	vadd.s32 $0x8000, v8;
	v27 =	vshrl.u32 v1, $0x10;
	v3 =	vadd.s32 $0x8000, v3  }
0x115: {  	v26 =	vand.u32 $0xFFFF0000, v8;
	v2 =	vadd.f32 v7, v5;
	v5 =	vsub.f32 v5, v7  }
0x116: {  	v31 =	vor.u32 v27, v31;
	v10 =	vand.u32 $0x7FFFFFFF, v10;
	v18 =	vadd.s32 $0x8000, v16;
	v16 =	vld [tilespmem:s0+$0xDC00]  }
0x117: {  	v7 =	vld [tilespmem:s0+$0xB400];
	v10 =	vadd.s32 $0x8000, v10;
	v1 =	vand.u32 $0x7FFFFFFF, v5;
	v5 =	vadd.f32 v15, v12  }
0x118: {  	v19 =	vld [tilespmem:s0+$0xDC40];
	v12 =	vsub.f32 v12, v15;
	v22 =	vadd.s32 $0x8000, v2;
	v20 =	vadd.f32 v17, v14  }
0x119: {  	v15 =	vld [tilespmem:s0+$0xB440];
	v4 =	vadd.s32 $0x8000, v1;
	v1 =	vshrl.u32 v9, $0x10;
	v29 =	vand.u32 $0xFFFF0000, v22  }
0x11a: {  	v2 =	vand.u32 $0x7FFFFFFF, v12;
	v12 =	vsub.f32 v14, v17;
	v14 =	vld [tilespmem:s0+$0xB410];
	v9 =	vadd.s32 $0x8000, v5  }
0x11b: {  	v17 =	vld [tilespmem:s0+$0xDC10];
	v32 =	vadd.s32 $0x8000, v20;
	v4 =	vand.u32 $0xFFFF0000, v4;
	v5 =	vadd.s32 $0x8000, v2  }
0x11c: {  	v20 =	vld [tilespmem:s0+$0xDC50];
	v21 =	vadd.f32 v16, v7;
	v7 =	vsub.f32 v7, v16;
	v2 =	vand.u32 $0xFFFF0000, v3  }
0x11d: {  	v16 =	vld [tilespmem:s0+$0xB450];
	v3 =	vshrl.u32 v10, $0x10;
	v22 =	vand.u32 $0xFFFF0000, v32;
	v12 =	vand.u32 $0x7FFFFFFF, v12  }
0x11e: {  	v24 =	vadd.f32 v19, v15;
	v7 =	vand.u32 $0x7FFFFFFF, v7;
	v15 =	vsub.f32 v15, v19;
	v19 =	vld [tilespmem:s0+$0xB420]  }
0x11f: {  	v5 =	vshrl.u32 v5, $0x10;
	v12 =	vadd.s32 $0x8000, v12;
	v10 =	vadd.s32 $0x8000, v7;
	v7 =	vld [tilespmem:s0+$0xDC20]  }
0x120: {  	v33 =	vadd.s32 $0x8000, v21;
	v21 =	vadd.f32 v17, v14;
	v14 =	vsub.f32 v14, v17;
	v17 =	vld [tilespmem:s0+$0xB460]  }
0x121: {  	v15 =	vand.u32 $0x7FFFFFFF, v15;
	v34 =	vadd.s32 $0x8000, v24;
	v24 =	vld [tilespmem:s0+$0xDC60];
	v10 =	vshrl.u32 v10, $0x10  }
0x122: {  	v25 =	vadd.f32 v20, v16;
	v16 =	vsub.f32 v16, v20;
	v14 =	vand.u32 $0x7FFFFFFF, v14  }
0x123: {  	v15 =	vadd.s32 $0x8000, v15;
	v35 =	vadd.s32 $0x8000, v21;
	v14 =	vadd.s32 $0x8000, v14  }
0x124: {  	v16 =	vand.u32 $0x7FFFFFFF, v16;
	v36 =	vadd.s32 $0x8000, v25;
	v25 =	vand.u32 $0xFFFF0000, v6  }
0x125: {  	v20 =	vadd.f32 v7, v19;
	v19 =	vsub.f32 v19, v7;
	v7 =	vand.u32 $0xFFFF0000, v12  }
0x126: {  	v12 =	vadd.s32 $0x8000, v16;
	v21 =	vadd.f32 v24, v17;
	v17 =	vsub.f32 v17, v24  }
0x127: {  	v16 =	vand.u32 $0x7FFFFFFF, v19;
	v37 =	vadd.s32 $0x8000, v20;
	v19 =	vshrl.u32 v14, $0x10  }
0x128: {  	v20 =	vand.u32 $0xFFFF0000, v12;
	v14 =	vand.u32 $0xFFFF0000, v36;
	v24 =	vadd.s32 $0x8000, v16  }
0x129: {  	v16 =	vand.u32 $0xFFFF0000, v15;
	v38 =	vadd.s32 $0x8000, v21;
	v15 =	vand.u32 $0x7FFFFFFF, v17  }
0x12a: {  	s13 =	simm.s32 $0x80;
	v17 =	vshrl.u32 v11, $0x10;
	v21 =	vshrl.u32 v13, $0x10;
	v11 =	vshrl.u32 v33, $0x10  }
0x12b: {  	v6 =	vld [tilespmem:s13+$0xB430];
	v13 =	vand.u32 $0xFFFF0000, v34;
	v12 =	vadd.s32 $0x8000, v15;
	v28 =	vshrl.u32 v24, $0x10  }
0x12c: {  	v24 =	vshrl.u32 v18, $0x10;
	v18 =	vshrl.u32 v9, $0x10;
	v9 =	vld [tilespmem:s13+$0xDC30];
	v15 =	vshrl.u32 v37, $0x10  }
0x12d: {  	s14 =	simm.s32 $0x400;
	v8 =	vld [tilespmem:s13+$0xB470];
	v27 =	vand.u32 $0xFFFF0000, v38;
	v30 =	vand.u32 $0xFFFF0000, v12;
	v12 =	vshrl.u32 v35, $0x10  }
.LBB2_6:
0x12e: {  	p0 =	sne.s32 s14, $0x4E00;
	v32 =	vld [tilespmem:s13+$0xDC70];
	[tilespmem:s0+$0x11840] =	vst v31;
	v1 =	vor.u32 v1, v2;
	v2 =	vor.u32 v3, v4;
	v3 =	vor.u32 v5, v7  }
0x12f: {  	v5 =	vor.u32 v19, v20;
	v7 =	vor.u32 v28, v30;
	v4 =	vld [tilespmem:s13+$0xA000];
	[tilespmem:s0+$0x11850] =	vst v1;
	v1 =	vor.u32 v10, v16  }
0x130: {  	v19 =	vor.u32 v24, v29;
	v16 =	vor.u32 v17, v25;
	v17 =	vor.u32 v21, v26;
	v10 =	vld [tilespmem:s13+$0xC800];
	[tilespmem:s0+$0x11860] =	vst v2  }
0x131: {  	v18 =	vor.u32 v18, v22;
	v2 =	vld [tilespmem:s13+$0xA040];
	v20 =	vadd.f32 v9, v6;
	[tilespmem:s0+$0x11870] =	vst v3;
	v3 =	vor.u32 v11, v13  }
0x132: {  	v13 =	vor.u32 v0, v23;
	v11 =	vld [tilespmem:s13+$0xC840];
	[tilespmem:s0+$0x12C40] =	vst v1;
	v1 =	vor.u32 v12, v14;
	v12 =	vor.u32 v15, v27  }
0x133: {  	v6 =	vsub.f32 v6, v9;
	v14 =	vld [tilespmem:s13+$0xA010];
	v0 =	vadd.s32 $0x8000, v20;
	v9 =	vsub.f32 v8, v32;
	[tilespmem:s0+$0x12C50] =	vst v5  }
0x134: {  	v8 =	vadd.f32 v32, v8;
	v5 =	vld [tilespmem:s13+$0xC810];
	v0 =	vshrl.u32 v0, $0x10;
	[tilespmem:s0+$0x12C60] =	vst v7  }
0x135: {  	v6 =	vand.u32 $0x7FFFFFFF, v6;
	v7 =	vsub.f32 v4, v10;
	v15 =	vld [tilespmem:s13+$0xA050];
	v9 =	vand.u32 $0x7FFFFFFF, v9;
	[tilespmem:s0+$0x11800] =	vst v16  }
0x136: {  	v6 =	vadd.s32 $0x8000, v6;
	v4 =	vadd.f32 v10, v4;
	v10 =	vld [tilespmem:s13+$0xC850];
	v9 =	vadd.s32 $0x8000, v9;
	[tilespmem:s0+$0x11810] =	vst v17  }
0x137: {  	v6 =	vshrl.u32 v6, $0x10;
	v16 =	vsub.f32 v2, v11;
	v17 =	vld [tilespmem:s13+$0xA020];
	v9 =	vand.u32 $0xFFFF0000, v9;
	[tilespmem:s0+$0x11820] =	vst v19  }
0x138: {  	v2 =	vadd.f32 v11, v2;
	v7 =	vand.u32 $0x7FFFFFFF, v7;
	v11 =	vld [tilespmem:s13+$0xC820];
	v6 =	vor.u32 v6, v9;
	[tilespmem:s0+$0x11830] =	vst v18  }
0x139: {  	v9 =	vand.u32 $0x7FFFFFFF, v16;
	v16 =	vadd.f32 v5, v14;
	v5 =	vsub.f32 v14, v5;
	v14 =	vld [tilespmem:s13+$0xA060];
	[tilespmem:s13+$0x12C70] =	vst v6  }
0x13a: {  	v6 =	vadd.s32 $0x8000, v4;
	v4 =	vadd.s32 $0x8000, v7;
	v7 =	vadd.s32 $0x8000, v9;
	v9 =	vld [tilespmem:s13+$0xC860];
	[tilespmem:s0+$0x12C00] =	vst v3  }
0x13b: {  	v3 =	vadd.f32 v10, v15;
	v5 =	vand.u32 $0x7FFFFFFF, v5;
	v10 =	vsub.f32 v15, v10;
	v15 =	vld [tilespmem:s13+$0xA030];
	[tilespmem:s0+$0x12C10] =	vst v1  }
0x13c: {  	v18 =	vadd.s32 $0x8000, v2;
	v21 =	vadd.s32 $0x8000, v16;
	v1 =	vadd.s32 $0x8000, v5;
	v2 =	vld [tilespmem:s13+$0xC830];
	[tilespmem:s0+$0x12C20] =	vst v12  }
0x13d: {  	v5 =	vand.u32 $0x7FFFFFFF, v10;
	v10 =	vadd.f32 v11, v17;
	v11 =	vsub.f32 v17, v11;
	v12 =	vld [tilespmem:s13+$0xA070];
	[tilespmem:s0+$0x12C30] =	vst v13;
	s0 =	smov.u32 s13  }
0x13e: {  	v23 =	vadd.s32 $0x8000, v8;
	v13 =	vadd.s32 $0x8000, v3;
	v3 =	vadd.s32 $0x8000, v5;
	v5 =	vld [tilespmem:s0+$0xC870]  }
0x13f: {  	v8 =	vadd.f32 v9, v14;
	v11 =	vand.u32 $0x7FFFFFFF, v11;
	v9 =	vsub.f32 v14, v9;
	v14 =	vld [tilespmem:s0+$0xB400]  }
0x140: {  	v27 =	vshrl.u32 v4, $0x10;
	v22 =	vadd.s32 $0x8000, v10;
	v4 =	vadd.s32 $0x8000, v11;
	v10 =	vld [tilespmem:s0+$0xDC00]  }
0x141: {  	v9 =	vand.u32 $0x7FFFFFFF, v9;
	v11 =	vadd.f32 v2, v15;
	v2 =	vsub.f32 v15, v2;
	v15 =	vld [tilespmem:s0+$0xB440]  }
0x142: {  	v31 =	vand.u32 $0xFFFF0000, v7;
	v8 =	vadd.s32 $0x8000, v8;
	v7 =	vadd.s32 $0x8000, v9;
	v9 =	vld [tilespmem:s0+$0xDC40]  }
0x143: {  	v16 =	vadd.f32 v5, v12;
	v2 =	vand.u32 $0x7FFFFFFF, v2;
	v5 =	vsub.f32 v12, v5;
	v12 =	vld [tilespmem:s0+$0xB410]  }
0x144: {  	v1 =	vshrl.u32 v1, $0x10;
	v11 =	vadd.s32 $0x8000, v11;
	v17 =	vadd.s32 $0x8000, v2;
	v19 =	vld [tilespmem:s0+$0xDC10]  }
0x145: {  	v5 =	vand.u32 $0x7FFFFFFF, v5;
	v20 =	vadd.f32 v10, v14;
	v10 =	vsub.f32 v14, v10;
	v14 =	vld [tilespmem:s0+$0xB450]  }
0x146: {  	v2 =	vand.u32 $0xFFFF0000, v3;
	v32 =	vadd.s32 $0x8000, v16;
	v16 =	vadd.s32 $0x8000, v5;
	v5 =	vld [tilespmem:s0+$0xDC50]  }
0x147: {  	v24 =	vadd.f32 v9, v15;
	v10 =	vand.u32 $0x7FFFFFFF, v10;
	v9 =	vsub.f32 v15, v9;
	v15 =	vld [tilespmem:s0+$0xB420]  }
0x148: {  	v3 =	vshrl.u32 v4, $0x10;
	v33 =	vadd.s32 $0x8000, v20;
	v10 =	vadd.s32 $0x8000, v10;
	v20 =	vld [tilespmem:s0+$0xDC20]  }
0x149: {  	v9 =	vand.u32 $0x7FFFFFFF, v9;
	v25 =	vadd.f32 v19, v12;
	v12 =	vsub.f32 v12, v19;
	v19 =	vld [tilespmem:s0+$0xB460]  }
0x14a: {  	v4 =	vand.u32 $0xFFFF0000, v7;
	v34 =	vadd.s32 $0x8000, v24;
	v9 =	vadd.s32 $0x8000, v9;
	v24 =	vld [tilespmem:s0+$0xDC60]  }
0x14b: {  	v26 =	vadd.f32 v5, v14;
	v7 =	vand.u32 $0x7FFFFFFF, v12;
	v12 =	vsub.f32 v14, v5  }
0x14c: {  	v5 =	vshrl.u32 v17, $0x10;
	v14 =	vadd.s32 $0x8000, v25;
	v17 =	vadd.s32 $0x8000, v7  }
0x14d: {  	v12 =	vand.u32 $0x7FFFFFFF, v12;
	v25 =	vadd.f32 v20, v15;
	v15 =	vsub.f32 v15, v20  }
0x14e: {  	v7 =	vand.u32 $0xFFFF0000, v16;
	v35 =	vadd.s32 $0x8000, v26;
	v12 =	vadd.s32 $0x8000, v12  }
0x14f: {  	v20 =	vadd.f32 v24, v19;
	v15 =	vand.u32 $0x7FFFFFFF, v15;
	v19 =	vsub.f32 v19, v24  }
0x150: {  	v10 =	vshrl.u32 v10, $0x10;
	v36 =	vadd.s32 $0x8000, v25;
	v15 =	vadd.s32 $0x8000, v15  }
0x151: {  	v16 =	vand.u32 $0xFFFF0000, v9;
	v37 =	vadd.s32 $0x8000, v20;
	v9 =	vand.u32 $0x7FFFFFFF, v19  }
0x152: {  	v19 =	vshrl.u32 v17, $0x10;
	v20 =	vand.u32 $0xFFFF0000, v12;
	v9 =	vadd.s32 $0x8000, v9  }
0x153: {  	v17 =	vshrl.u32 v6, $0x10;
	v28 =	vshrl.u32 v15, $0x10;
	v30 =	vand.u32 $0xFFFF0000, v9  }
.Ltmp6:
0x154: {  	v21 =	vshrl.u32 v21, $0x10;
	v26 =	vand.u32 $0xFFFF0000, v13;
	v25 =	vand.u32 $0xFFFF0000, v18;
	(pc) =	sbr.rel @p0 .LBB2_6-.Ltmp6, $4  }
0x155: {  	s13 =	sshra.s32 s14, $0x2;
	v29 =	vand.u32 $0xFFFF0000, v8;
	v24 =	vshrl.u32 v22, $0x10;
	v18 =	vshrl.u32 v11, $0x10  }
0x156: {  	v13 =	vand.u32 $0xFFFF0000, v34;
	v22 =	vand.u32 $0xFFFF0000, v32;
	v11 =	vshrl.u32 v33, $0x10;
	v6 =	vld [tilespmem:s13+$0xB430]  }
0x157: {  	v12 =	vshrl.u32 v14, $0x10;
	v14 =	vand.u32 $0xFFFF0000, v35;
	v15 =	vshrl.u32 v36, $0x10;
	v9 =	vld [tilespmem:s13+$0xDC30]  }
0x158: {  	v23 =	vand.u32 $0xFFFF0000, v23;
	v31 =	vor.u32 v27, v31;
	s14 =	sadd.s32 $0x200, s14;
	v27 =	vand.u32 $0xFFFF0000, v37;
	v8 =	vld [tilespmem:s13+$0xB470]  }
0x159: {  	v32 =	vld [tilespmem:s13+$0xDC70];
	[tilespmem:s0+$0x11840] =	vst v31;
	v1 =	vor.u32 v1, v2  }
0x15a: {  	v43 =	vor.u32 v3, v4;
	v42 =	vld [tilespmem:s13+$0xA000];
	[tilespmem:s0+$0x11850] =	vst v1  }
0x15b: {  	v45 =	vor.u32 v5, v7;
	v44 =	vld [tilespmem:s13+$0xC800];
	[tilespmem:s0+$0x11860] =	vst v43  }
0x15c: {  	v47 =	vor.u32 v10, v16;
	v46 =	vld [tilespmem:s13+$0xA040];
	[tilespmem:s0+$0x11870] =	vst v45  }
0x15d: {  	v49 =	vor.u32 v19, v20;
	v48 =	vld [tilespmem:s13+$0xC840];
	[tilespmem:s0+$0x12C40] =	vst v47  }
0x15e: {  	v51 =	vor.u32 v28, v30;
	v57 =	vsub.f32 v6, v9;
	v50 =	vld [tilespmem:s13+$0xA010];
	[tilespmem:s0+$0x12C50] =	vst v49;
	v58 =	vsub.f32 v8, v32  }
0x15f: {  	v53 =	vor.u32 v17, v25;
	v52 =	vld [tilespmem:s13+$0xC810];
	[tilespmem:s0+$0x12C60] =	vst v51  }
0x160: {  	v55 =	vor.u32 v21, v26;
	v19 =	vand.u32 $0x7FFFFFFF, v57;
	v54 =	vld [tilespmem:s13+$0xA050];
	[tilespmem:s0+$0x11800] =	vst v53;
	v20 =	vand.u32 $0x7FFFFFFF, v58  }
0x161: {  	v59 =	vor.u32 v24, v29;
	v62 =	vadd.s32 $0x8000, v19;
	v56 =	vld [tilespmem:s13+$0xC850];
	[tilespmem:s0+$0x11810] =	vst v55;
	v63 =	vadd.s32 $0x8000, v20  }
0x162: {  	v61 =	vor.u32 v18, v22;
	v18 =	vshrl.u32 v62, $0x10;
	v60 =	vld [tilespmem:s13+$0xA020];
	[tilespmem:s0+$0x11820] =	vst v59;
	v19 =	vand.u32 $0xFFFF0000, v63  }
0x163: {  	v24 =	vld [tilespmem:s13+$0xC820];
	[tilespmem:s0+$0x11830] =	vst v61;
	v25 =	vor.u32 v18, v19  }
0x164: {  	v29 =	vor.u32 v11, v13;
	v30 =	vor.u32 v12, v14;
	v28 =	vadd.f32 v9, v6;
	v26 =	vld [tilespmem:s13+$0xA060];
	[tilespmem:s13+$0x12C70] =	vst v25  }
0x165: {  	v31 =	vor.u32 v15, v27;
	v34 =	vor.u32 v0, v23;
	v32 =	vadd.f32 v32, v8;
	v33 =	vld [tilespmem:s13+$0xC860];
	[tilespmem:s0+$0x12C00] =	vst v29  }
0x166: {  	v0 =	vadd.s32 $0x8000, v28;
	v35 =	vsub.f32 v42, v44;
	v2 =	vadd.f32 v44, v42;
	v38 =	vld [tilespmem:s13+$0xA030];
	[tilespmem:s0+$0x12C10] =	vst v30  }
0x167: {  	v0 =	vshrl.u32 v0, $0x10;
	v8 =	vadd.s32 $0x8000, v32;
	v43 =	vld [tilespmem:s13+$0xC830];
	[tilespmem:s0+$0x12C20] =	vst v31  }
0x168: {  	v36 =	vsub.f32 v46, v48;
	v39 =	vand.u32 $0x7FFFFFFF, v35;
	v2 =	vadd.s32 $0x8000, v2;
	v11 =	vld [tilespmem:s13+$0xA070];
	[tilespmem:s0+$0x12C30] =	vst v34  }
0x169: {  	v37 =	vadd.f32 v48, v46;
	v5 =	vadd.s32 $0x8000, v39;
	v2 =	vshrl.u32 v2, $0x10;
	v48 =	vld [tilespmem:s13+$0xC870]  }
0x16a: {  	v40 =	vand.u32 $0x7FFFFFFF, v36;
	v41 =	vadd.f32 v52, v50;
	v42 =	vsub.f32 v50, v52;
	v50 =	vld [tilespmem:s13+$0xB400]  }
0x16b: {  	v3 =	vadd.s32 $0x8000, v37;
	v5 =	vshrl.u32 v5, $0x10;
	v6 =	vadd.s32 $0x8000, v40;
	v51 =	vld [tilespmem:s13+$0xDC00]  }
0x16c: {  	v3 =	vand.u32 $0xFFFF0000, v3;
	v44 =	vadd.f32 v56, v54;
	v45 =	vsub.f32 v54, v56;
	v53 =	vld [tilespmem:s13+$0xB440]  }
0x16d: {  	v1 =	vand.u32 $0x7FFFFFFF, v42;
	v9 =	vadd.s32 $0x8000, v41;
	v6 =	vand.u32 $0xFFFF0000, v6;
	v54 =	vld [tilespmem:s13+$0xDC40]  }
0x16e: {  	v2 =	vor.u32 v2, v3;
	v1 =	vadd.s32 $0x8000, v1;
	v5 =	vor.u32 v5, v6;
	v56 =	vld [tilespmem:s13+$0xB410]  }
0x16f: {  	v14 =	vand.u32 $0x7FFFFFFF, v45;
	v46 =	vadd.f32 v24, v60;
	v47 =	vsub.f32 v60, v24;
	v57 =	vld [tilespmem:s13+$0xDC10]  }
0x170: {  	v10 =	vadd.s32 $0x8000, v44;
	v1 =	vshrl.u32 v1, $0x10;
	v14 =	vadd.s32 $0x8000, v14;
	v59 =	vld [tilespmem:s13+$0xB450]  }
0x171: {  	v49 =	vadd.f32 v33, v26;
	v12 =	vsub.f32 v26, v33;
	v61 =	vld [tilespmem:s13+$0xDC50];
	v13 =	vand.u32 $0x7FFFFFFF, v47  }
0x172: {  	v63 =	vld [tilespmem:s13+$0xB420];
	v15 =	vadd.s32 $0x8000, v46;
	v14 =	vand.u32 $0xFFFF0000, v14;
	v13 =	vadd.s32 $0x8000, v13  }
0x173: {  	v33 =	vld [tilespmem:s13+$0xDC20];
	v12 =	vand.u32 $0x7FFFFFFF, v12;
	v52 =	vadd.f32 v43, v38;
	v4 =	vsub.f32 v38, v43  }
0x174: {  	v35 =	vld [tilespmem:s13+$0xB460];
	v7 =	vadd.s32 $0x8000, v49;
	v55 =	vadd.f32 v48, v11;
	v11 =	vsub.f32 v11, v48  }
0x175: {  	v37 =	vld [tilespmem:s13+$0xDC60];
	v1 =	vor.u32 v1, v14;
	v58 =	vadd.f32 v51, v50;
	v18 =	vsub.f32 v50, v51  }
0x176: {  	v12 =	vadd.s32 $0x8000, v12;
	v62 =	vadd.f32 v54, v53;
	v17 =	vsub.f32 v53, v54  }
0x177: {  	v13 =	vshrl.u32 v13, $0x10;
	v34 =	vadd.f32 v57, v56;
	v16 =	vsub.f32 v56, v57  }
0x178: {  	v12 =	vand.u32 $0xFFFF0000, v12;
	v38 =	vadd.f32 v61, v59;
	v22 =	vsub.f32 v59, v61  }
0x179: {  	v4 =	vand.u32 $0x7FFFFFFF, v4;
	v40 =	vsub.f32 v63, v33;
	v21 =	vadd.f32 v33, v63  }
0x17a: {  	v20 =	vadd.s32 $0x8000, v52;
	v42 =	vadd.f32 v37, v35;
	v26 =	vsub.f32 v35, v37  }
0x17b: {  	v12 =	vor.u32 v13, v12;
	v51 =	vshrl.u32 v9, $0x10;
	v63 =	vand.u32 $0xFFFF0000, v8  }
0x17c: {  	v52 =	vand.u32 $0xFFFF0000, v10;
	v4 =	vadd.s32 $0x8000, v4;
	v0 =	vor.u32 v0, v63  }
0x17d: {  	v11 =	vand.u32 $0x7FFFFFFF, v11;
	v60 =	vadd.s32 $0x8000, v55;
	v18 =	vand.u32 $0x7FFFFFFF, v18  }
0x17e: {  	v24 =	vadd.s32 $0x8000, v58;
	v17 =	vand.u32 $0x7FFFFFFF, v17;
	v36 =	vadd.s32 $0x8000, v62  }
0x17f: {  	v16 =	vand.u32 $0x7FFFFFFF, v16;
	v4 =	vshrl.u32 v4, $0x10;
	v22 =	vand.u32 $0x7FFFFFFF, v22  }
0x180: {  	[tilespmem:s13+$0x11840] =	vst v5;
	v28 =	vand.u32 $0x7FFFFFFF, v40;
	v43 =	vadd.s32 $0x8000, v21;
	v46 =	vadd.s32 $0x8000, v42  }
0x181: {  	[tilespmem:s13+$0x11800] =	vst v2;
	v47 =	vand.u32 $0x7FFFFFFF, v26;
	v55 =	vshrl.u32 v20, $0x10;
	v11 =	vadd.s32 $0x8000, v11  }
0x182: {  	[tilespmem:s13+$0x11850] =	vst v1;
	v18 =	vadd.s32 $0x8000, v18;
	v17 =	vadd.s32 $0x8000, v17;
	v16 =	vadd.s32 $0x8000, v16  }
0x183: {  	[tilespmem:s13+$0x11860] =	vst v12;
	v22 =	vadd.s32 $0x8000, v22;
	v44 =	vadd.s32 $0x8000, v28;
	v56 =	vand.u32 $0xFFFF0000, v60  }
0x184: {  	[tilespmem:s13+$0x12C30] =	vst v0;
	v57 =	vshrl.u32 v24, $0x10;
	v58 =	vand.u32 $0xFFFF0000, v36;
	v2 =	vor.u32 v55, v56  }
0x185: {  	v1 =	vadd.s32 $0x8000, v47;
	v11 =	vand.u32 $0xFFFF0000, v11;
	v3 =	vor.u32 v57, v58;
	[tilespmem:s13+$0x11830] =	vst v2  }
0x186: {  	v18 =	vshrl.u32 v18, $0x10;
	v45 =	vand.u32 $0xFFFF0000, v17;
	v4 =	vor.u32 v4, v11;
	[tilespmem:s13+$0x12C00] =	vst v3  }
0x187: {  	v48 =	vshrl.u32 v16, $0x10;
	v49 =	vand.u32 $0xFFFF0000, v22;
	v5 =	vor.u32 v18, v45;
	[tilespmem:s13+$0x11870] =	vst v4  }
0x188: {  	v50 =	vshrl.u32 v44, $0x10;
	v1 =	vand.u32 $0xFFFF0000, v1;
	v11 =	vor.u32 v48, v49;
	[tilespmem:s13+$0x12C40] =	vst v5  }
0x189: {  	v61 =	vshrl.u32 v43, $0x10;
	v62 =	vand.u32 $0xFFFF0000, v46;
	v1 =	vor.u32 v50, v1;
	[tilespmem:s13+$0x12C50] =	vst v11  }
0x18a: {  	s14 =	smul.u32 $0x28, s1;
	v53 =	vshrl.u32 v15, $0x10;
	v54 =	vand.u32 $0xFFFF0000, v7;
	v2 =	vor.u32 v61, v62;
	[tilespmem:s13+$0x12C60] =	vst v1  }
0x18b: {  	v39 =	vadd.s32 $0x8000, v34;
	v41 =	vadd.s32 $0x8000, v38;
	v4 =	vor.u32 v51, v52;
	[tilespmem:s13+$0x12C20] =	vst v2  }
0x18c: {  	s0 =	sadd.s32 s3, s14;
	v59 =	vshrl.u32 v39, $0x10;
	v60 =	vand.u32 $0xFFFF0000, v41;
	v1 =	vor.u32 v53, v54;
	[tilespmem:s13+$0x11810] =	vst v4  }
.Ltmp7:
0x18d: {  	s0 =	sshll.u32 s0, $0x4;
	[tilespmem:s13+$0x11820] =	vst v1;
	v1 =	vor.u32 v59, v60;
	(pc) =	sbr.rel .LBB2_8-.Ltmp7, $4  }
0x18e: {  	s15 =	sadd.s32 s5, s0;
	[tilespmem:s13+$0x12C10] =	vst v1  }
0x18f: {  	[hbm4b:s15+s2] =	stream.linear.scatter [tilespmem:s25], [sflag:$0x4], $0x1400, $0x38;
	[tilespmem:$0x14000] =	vst v63  }
0x190: {  	s0 =	sadd.s32 s0, s10  }
0x191: {  	[hbm4b:s0+s2] =	stream.linear.scatter [tilespmem:s26], [sflag:$0x4], $0x1400, $0x38;
	[tilespmem:$0x14000] =	vst v63  }
.LBB2_10:
0x192: {  	_ =	sfence.sel $0x180000  }
0x193: {  	[bflag:$0x0] =	sbarrier.arrive $0xFFFF  }
0x194: {  	_ =	strace $0x90000047  }
0x195: {  	s0 =	stileid.u32;
	[bflag:$0x2] =	sbarrier.arrive $0xFFFF  }
0x196: {  	p0 =	sne.s32 s0, $0x0;
	s0 =	rddreg [dreg:$0x2]  }
0x197: {  	s0 =	sadd.s32 @!p0 $0x100000, s0  }
0x198: {  	[sflag:s0] =	ssyncadd.tile.s32 @!p0 $0x1;
	_ =	shalt  }
.Lfunc_end2:
_tile_overlayer_lowered:
.L_overlay_start_2:
0x199: {  	(tag) =	ssettag $0x2  }
0x19a: {  	s0 =	rddreg [dreg:$0x0];
	s2 =	stileid.u32  }
0x19b: {  	s1 =	rddreg [dreg:$0x1];
	p0 =	sne.s32 s2, $0x0  }
0x19c: {  	s3 =	rddreg [dreg:$0x2];
	[bflag:$0x3] =	sbarrier.arrive $0xFFFF;
	s2 =	simm.s32 @!p0 $0x1C05  }
0x19d: {  	[timem:s3], [sflag:s2] =	dma.local @!p0 [hbm:s0], s1  }
0x19e: {  	s0 =	simm.s32 @!p0 $0x5  }
0x19f: {  	_ =	swait.ge @!p0 [sflag:s0], s1  }
0x1a0: {  	s1 =	ssub.s32 @!p0 $0x0, s1;
	[sflag:s0] =	ssyncset.done @!p0 $0x0  }
0x1a1: {  	[sflag:s0] =	ssyncadd.s32 @!p0 s1  }
0x1a2: {  	[bflag:$0x3] =	sbarrier.arrive $0xFFFF  }
0x1a3: {  	_ =	shalt  }

</sc_bundles>
